<compile_context>
chip_gen: v7x
topology: tpu7x:2x2x1
jax: 0.10.2.dev20260603
libtpu: 0.0.44.dev20260713+nightly
codegen_flags: <defaults>
</compile_context>

<pallas_src>
import jax
import jax.numpy as jnp
from jax import lax
from jax.experimental import pallas as pl
from jax.experimental.pallas import tpu as pltpu
from jax.experimental.pallas import tpu_sc as plsc

N_NODES = 50000
N_EDGES = 800000
NUM_TYPES = 32
NUM_BASIS = 8
R_MAX = 5.0
OUT_W = NUM_BASIS + 2 * NUM_TYPES

NC, NS, L = 2, 16, 16
NW = NC * NS
B = 400
NCHUNK = N_EDGES // B
GROUPS = B // L
GEOM_W = 16
NK = -(-NCHUNK // NW)
NPAIR = (NK + 3) // 2 + 1

_TWO_PI = 6.283185307179586
_INV_TWO_PI = 1.0 / _TWO_PI
_SIN_C = (9.9998458677e-01, -1.6663258204e-01, 8.3123829338e-03,
          -1.9316182196e-04, 2.1732100681e-06)
_COS_C = (9.9999944342e-01, -4.9999558037e-01, 4.1661031574e-02,
          -1.3862743260e-03, 2.4253137751e-05, -2.2193694177e-07)


def _rsqrt(l2):
    i = plsc.bitcast(l2, jnp.int32)
    y = plsc.bitcast(jnp.int32(0x5F3759DF) - (i >> 1), jnp.float32)
    for _ in range(3):
        y = y * (1.5 - 0.5 * l2 * y * y)
    return y


NSET = 13


def _sc_kernel(geom_hbm, src_hbm, dst_hbm, te0_hbm, te1_hbm, w_hbm, out_hbm,
               wv, *bufs):
    sets = [bufs[:NSET], bufs[NSET:]]
    wid = lax.axis_index("s") * NC + lax.axis_index("c")
    pltpu.sync_copy(w_hbm, wv)
    iota = lax.iota(jnp.int32, L)

    def full_i(v):
        return jnp.full((L,), v, jnp.int32)

    wsp = [plsc.load_gather(wv, [full_i(8 + k)])
           for k in range(NUM_BASIS * NUM_BASIS)]

    def idx_fire(S, c):
        base = c * B
        pltpu.async_copy(src_hbm.at[pl.ds(base, B)], S[0], S[9])
        pltpu.async_copy(dst_hbm.at[pl.ds(base, B)], S[1], S[9])

    def idx_wait(S, c):
        base = c * B
        pltpu.make_async_copy(src_hbm.at[pl.ds(base, B)], S[0], S[9]).wait()
        pltpu.make_async_copy(dst_hbm.at[pl.ds(base, B)], S[1], S[9]).wait()

    def geom_fire(S):
        pltpu.async_copy(geom_hbm.at[S[0]], S[2], S[10])
        pltpu.async_copy(geom_hbm.at[S[1]], S[3], S[10])

    def geom_wait(S):
        pltpu.make_async_copy(geom_hbm.at[S[0]], S[2], S[10]).wait()
        pltpu.make_async_copy(geom_hbm.at[S[1]], S[3], S[10]).wait()

    def te_fire(S):
        pltpu.async_copy(te0_hbm.at[S[4]], S[7], S[11])
        pltpu.async_copy(te1_hbm.at[S[5]], S[8], S[11])

    def te_wait(S):
        pltpu.make_async_copy(te0_hbm.at[S[4]], S[7], S[11]).wait()
        pltpu.make_async_copy(te1_hbm.at[S[5]], S[8], S[11]).wait()

    def wb_descr(S, c):
        base = c * B
        return [
            (S[6].at[:, pl.ds(0, L)],
             out_hbm.at[pl.ds(base, B), pl.ds(0, L)], S[12]),
            (S[7], out_hbm.at[pl.ds(base, B),
                              pl.ds(NUM_BASIS, NUM_TYPES)], S[12]),
            (S[8], out_hbm.at[pl.ds(base, B),
                              pl.ds(NUM_BASIS + NUM_TYPES, NUM_TYPES)],
             S[12]),
        ]

    def wb_fire(S, c):
        for a, b, sm in wb_descr(S, c):
            pltpu.async_copy(a, b, sm)

    def wb_wait(S, c):
        for a, b, sm in wb_descr(S, c):
            pltpu.make_async_copy(a, b, sm).wait()

    def compute(S):
        gsrc, gdst, ats_v, atd_v, obasis = S[2], S[3], S[4], S[5], S[6]

        @pl.loop(0, GROUPS)
        def _group(g):
            rows = g * L + iota
            xs = plsc.load_gather(gsrc, [rows, full_i(0)])
            ys = plsc.load_gather(gsrc, [rows, full_i(1)])
            zs = plsc.load_gather(gsrc, [rows, full_i(2)])
            ats = plsc.load_gather(gsrc, [rows, full_i(3)]).astype(jnp.int32)
            xd = plsc.load_gather(gdst, [rows, full_i(0)])
            yd = plsc.load_gather(gdst, [rows, full_i(1)])
            zd = plsc.load_gather(gdst, [rows, full_i(2)])
            atd = plsc.load_gather(gdst, [rows, full_i(3)]).astype(jnp.int32)
            ats_v[pl.ds(g * L, L)] = ats
            atd_v[pl.ds(g * L, L)] = atd
            dx = xd - xs
            dy = yd - ys
            dz = zd - zs
            l2 = dx * dx + dy * dy + dz * dz + 1e-12
            inv = _rsqrt(l2)
            x = l2 * inv
            theta = x * (jnp.pi / R_MAX)
            q = (theta * _INV_TWO_PI + 0.5).astype(jnp.int32).astype(
                jnp.float32)
            th = theta - q * _TWO_PI
            t2 = th * th
            s1 = th * (_SIN_C[0] + t2 * (_SIN_C[1] + t2 * (_SIN_C[2]
                       + t2 * (_SIN_C[3] + t2 * _SIN_C[4]))))
            c1 = (_COS_C[0] + t2 * (_COS_C[1] + t2 * (_COS_C[2]
                  + t2 * (_COS_C[3] + t2 * (_COS_C[4] + t2 * _COS_C[5])))))
            scale = (2.0 / R_MAX) * inv
            two_c1 = 2.0 * c1
            s = s1
            sp = jnp.zeros_like(s1)
            bas = []
            for n in range(NUM_BASIS):
                bas.append(s * scale)
                s, sp = two_c1 * s - sp, s
            for j in range(NUM_BASIS):
                acc = bas[0] * wsp[j]
                for n in range(1, NUM_BASIS):
                    acc = acc + bas[n] * wsp[n * NUM_BASIS + j]
                plsc.store_scatter(obasis, [rows, full_i(j)], acc)

    idx_fire(sets[0], wid)

    @pl.loop(0, NPAIR)
    def _pair(kp):
        for p in (0, 1):
            k = 2 * kp + p
            S = sets[p]
            T = sets[1 - p]
            c = wid + k * NW
            cm1 = c - NW
            cm2 = c - 2 * NW

            @pl.when(c < NCHUNK)
            def _():
                idx_wait(S, c)
                geom_fire(S)

            @pl.when(jnp.logical_and(cm1 >= 0, cm1 < NCHUNK))
            def _():
                te_wait(T)
                wb_fire(T, cm1)

            @pl.when(jnp.logical_and(cm2 >= 0, cm2 < NCHUNK))
            def _():
                wb_wait(S, cm2)

            @pl.when(c < NCHUNK)
            def _():
                geom_wait(S)
                compute(S)
                te_fire(S)

            @pl.when(c + NW < NCHUNK)
            def _():
                idx_fire(T, c + NW)


@jax.jit
def kernel(pos, edge_index, atom_types, type_embeddings, W_basis):
    at32 = atom_types.astype(jnp.int32)
    geom = jnp.concatenate(
        [pos, at32.astype(jnp.float32)[:, None],
         jnp.zeros((N_NODES, GEOM_W - 4), jnp.float32)], axis=1)
    ei = edge_index.astype(jnp.int32)
    src = ei[0]
    dst = ei[1]
    te0 = type_embeddings[0]
    te1 = type_embeddings[1]
    wflat = jnp.concatenate([jnp.zeros((8,), jnp.float32),
                             W_basis.reshape(-1)])

    def one_set():
        return [
            pltpu.VMEM((B,), jnp.int32),
            pltpu.VMEM((B,), jnp.int32),
            pltpu.VMEM((B, GEOM_W), jnp.float32),
            pltpu.VMEM((B, GEOM_W), jnp.float32),
            pltpu.VMEM((B,), jnp.int32),
            pltpu.VMEM((B,), jnp.int32),
            pltpu.VMEM((B, 17), jnp.float32),
            pltpu.VMEM((B, NUM_TYPES), jnp.float32),
            pltpu.VMEM((B, NUM_TYPES), jnp.float32),
            pltpu.SemaphoreType.DMA,
            pltpu.SemaphoreType.DMA,
            pltpu.SemaphoreType.DMA,
            pltpu.SemaphoreType.DMA,
        ]

    mesh = plsc.VectorSubcoreMesh(core_axis_name="c", subcore_axis_name="s",
                                  num_cores=NC, num_subcores=NS)
    f = pl.kernel(
        _sc_kernel,
        out_type=jax.ShapeDtypeStruct((N_EDGES, OUT_W), jnp.float32),
        mesh=mesh,
        compiler_params=pltpu.CompilerParams(needs_layout_passes=False,
                                             use_tc_tiling_on_sc=False),
        scratch_types=[pltpu.VMEM((8 + NUM_BASIS * NUM_BASIS,), jnp.float32)]
        + one_set() + one_set(),
    )
    return f(geom, src, dst, te0, te1, wflat)

# --- scband reference (transcript-rebuilt; emitter-appended) ---
"""Pipeline reference for scband-edge-embedding-35064113004900 (READ-ONLY COPY).

The authoritative reference and input builder live on the scoring server;
editing this copy changes nothing except your own understanding.
"""

import jax, jax.numpy as jnp
import numpy as np

N_NODES = 50000
N_EDGES = 800000
NUM_TYPES = 32
NUM_BASIS = 8
R_MAX = 5.0


def setup_inputs(seed: int = 0) -> dict:
    key = jax.random.key(seed)
    k1, k2, k3, k4, k5, k6 = jax.random.split(key, 6)
    pos = jax.random.normal(k1, (N_NODES, 3), dtype=jnp.float32) * 3.0
    src = jax.random.randint(k2, (N_EDGES,), 0, N_NODES)
    # ensure no self-edges so edge lengths are nonzero
    offset = jax.random.randint(k3, (N_EDGES,), 1, N_NODES)
    dst = (src + offset) % N_NODES
    edge_index = jnp.stack([src, dst], axis=0).astype(jnp.int64)
    atom_types = jax.random.randint(k4, (N_NODES,), 0, NUM_TYPES).astype(jnp.int64)
    # learned params: type_embeddings [2, num_types, num_types] (init normal),
    # basis-embedding linear weight [num_basis, num_basis]
    type_embeddings = jax.random.normal(k5, (2, NUM_TYPES, NUM_TYPES), dtype=jnp.float32)
    W_basis = jax.random.normal(k6, (NUM_BASIS, NUM_BASIS), dtype=jnp.float32) / np.sqrt(NUM_BASIS)
    return {"pos": pos, "edge_index": edge_index, "atom_types": atom_types,
            "type_embeddings": type_embeddings, "W_basis": W_basis}


def reference(pos, edge_index, atom_types, type_embeddings, W_basis):
    edge_center = edge_index[0]
    edge_neighbor = edge_index[1]
    # with_edge_vectors(with_lengths=True)
    edge_vec = pos[edge_neighbor] - pos[edge_center]
    edge_length = jnp.sqrt(jnp.sum(edge_vec * edge_vec, axis=-1) + 1e-12)
    # BesselBasis: prefactor * sin(n*pi*x/r_max) / x for n = 1..num_basis
    bessel_weights = jnp.arange(1, NUM_BASIS + 1, dtype=jnp.float32) * jnp.pi / R_MAX
    prefactor = 2.0 / R_MAX
    x = edge_length[:, None]
    basis = prefactor * jnp.sin(bessel_weights[None, :] * x) / x  # [E, num_basis]
    # embed_basis: linear num_basis -> num_basis (no hidden layers, no bias)
    basis = basis @ W_basis
    # 'cat' mode: gather per-edge center/neighbor type embeddings
    t_center = type_embeddings[0][atom_types[edge_center]]    # [E, num_types]
    t_neighbor = type_embeddings[1][atom_types[edge_neighbor]]  # [E, num_types]
    edge_embed = jnp.concatenate([basis, t_center, t_neighbor], axis=-1)  # [E, 8+64]
    return edge_embed

if __name__ == "__main__":
    import jax
    _d = setup_inputs()
    print(jax.jit(kernel)(*tuple(_d.values())))

</pallas_src>

<mosaic_0001>
#map = affine_map<(d0, d1) -> (0, 0)>
#map1 = affine_map<(d0, d1) -> (0)>
module attributes {stable_mosaic.version = 14 : i64} {
  func.func @_sc_kernel(%arg0: i32, %arg1: i32, %arg2: memref<50000x16xf32, #tpu.memory_space<hbm>>, %arg3: memref<800000xi32, #tpu.memory_space<hbm>>, %arg4: memref<800000xi32, #tpu.memory_space<hbm>>, %arg5: memref<32x32xf32, #tpu.memory_space<hbm>>, %arg6: memref<32x32xf32, #tpu.memory_space<hbm>>, %arg7: memref<72xf32, #tpu.memory_space<hbm>>, %arg8: memref<800000x72xf32, #tpu.memory_space<hbm>>, %arg9: memref<72xf32, #tpu.memory_space<vmem>>, %arg10: memref<400xi32, #tpu.memory_space<vmem>>, %arg11: memref<400xi32, #tpu.memory_space<vmem>>, %arg12: memref<400x16xf32, #tpu.memory_space<vmem>>, %arg13: memref<400x16xf32, #tpu.memory_space<vmem>>, %arg14: memref<400xi32, #tpu.memory_space<vmem>>, %arg15: memref<400xi32, #tpu.memory_space<vmem>>, %arg16: memref<400x17xf32, #tpu.memory_space<vmem>>, %arg17: memref<400x32xf32, #tpu.memory_space<vmem>>, %arg18: memref<400x32xf32, #tpu.memory_space<vmem>>, %arg19: memref<!tpu.dma_semaphore, #tpu.memory_space<semaphore_mem>>, %arg20: memref<!tpu.dma_semaphore, #tpu.memory_space<semaphore_mem>>, %arg21: memref<!tpu.dma_semaphore, #tpu.memory_space<semaphore_mem>>, %arg22: memref<!tpu.dma_semaphore, #tpu.memory_space<semaphore_mem>>, %arg23: memref<400xi32, #tpu.memory_space<vmem>>, %arg24: memref<400xi32, #tpu.memory_space<vmem>>, %arg25: memref<400x16xf32, #tpu.memory_space<vmem>>, %arg26: memref<400x16xf32, #tpu.memory_space<vmem>>, %arg27: memref<400xi32, #tpu.memory_space<vmem>>, %arg28: memref<400xi32, #tpu.memory_space<vmem>>, %arg29: memref<400x17xf32, #tpu.memory_space<vmem>>, %arg30: memref<400x32xf32, #tpu.memory_space<vmem>>, %arg31: memref<400x32xf32, #tpu.memory_space<vmem>>, %arg32: memref<!tpu.dma_semaphore, #tpu.memory_space<semaphore_mem>>, %arg33: memref<!tpu.dma_semaphore, #tpu.memory_space<semaphore_mem>>, %arg34: memref<!tpu.dma_semaphore, #tpu.memory_space<semaphore_mem>>, %arg35: memref<!tpu.dma_semaphore, #tpu.memory_space<semaphore_mem>>) attributes {dimension_semantics = [#tpu.dimension_semantics<core_parallel>, #tpu.dimension_semantics<subcore_parallel>], iteration_bounds = array<i64: 2, 16>, scalar_prefetch = 0 : i64, scratch_operands = 27 : i64, tpu.core_type = #tpu.core_type<sc_vector_subcore>, window_params = [{transform_indices = #map}, {transform_indices = #map1}, {transform_indices = #map1}, {transform_indices = #map}, {transform_indices = #map}, {transform_indices = #map1}, {transform_indices = #map}]} {
    %mul3A = arith.constant 2 : i32
    %mul3A_0 = arith.muli %arg1, %mul3A : i32
    %add3A = arith.addi %mul3A_0, %arg0 : i32
    "tpu.region"() ({
      %run_scoped3A = tpu.sem_alloc : memref<!tpu.dma_semaphore, #tpu.memory_space<semaphore_mem>>
      tpu.enqueue_dma source(%arg7 : memref<72xf32, #tpu.memory_space<hbm>>) target(%arg9 : memref<72xf32, #tpu.memory_space<vmem>>) target_semaphore(%run_scoped3A : memref<!tpu.dma_semaphore, #tpu.memory_space<semaphore_mem>>)
      tpu.wait_dma2 semaphore(%run_scoped3A : memref<!tpu.dma_semaphore, #tpu.memory_space<semaphore_mem>>) src(%arg7 : memref<72xf32, #tpu.memory_space<hbm>>) dst(%arg9 : memref<72xf32, #tpu.memory_space<vmem>>)
      tpu.yield
    }) : () -> ()
    %iota3A = tpu.iota {dimensions = array<i32: 0>} : vector<16xi32>
    %broadcast_in_dim3A = arith.constant 8 : i32
    %broadcast_in_dim3A_1 = vector.broadcast %broadcast_in_dim3A : i32 to vector<16xi32>
    %gather3A = tpu.vector_load_idx %arg9[%broadcast_in_dim3A_1] : memref<72xf32, #tpu.memory_space<vmem>>[vector<16xi32>], vector<16xf32>,
    %broadcast_in_dim3A_2 = arith.constant 9 : i32
    %broadcast_in_dim3A_3 = vector.broadcast %broadcast_in_dim3A_2 : i32 to vector<16xi32>
    %gather3A_4 = tpu.vector_load_idx %arg9[%broadcast_in_dim3A_3] : memref<72xf32, #tpu.memory_space<vmem>>[vector<16xi32>], vector<16xf32>,
    %broadcast_in_dim3A_5 = arith.constant 10 : i32
    %broadcast_in_dim3A_6 = vector.broadcast %broadcast_in_dim3A_5 : i32 to vector<16xi32>
    %gather3A_7 = tpu.vector_load_idx %arg9[%broadcast_in_dim3A_6] : memref<72xf32, #tpu.memory_space<vmem>>[vector<16xi32>], vector<16xf32>,
    %broadcast_in_dim3A_8 = arith.constant 11 : i32
    %broadcast_in_dim3A_9 = vector.broadcast %broadcast_in_dim3A_8 : i32 to vector<16xi32>
    %gather3A_10 = tpu.vector_load_idx %arg9[%broadcast_in_dim3A_9] : memref<72xf32, #tpu.memory_space<vmem>>[vector<16xi32>], vector<16xf32>,
    %broadcast_in_dim3A_11 = arith.constant 12 : i32
    %broadcast_in_dim3A_12 = vector.broadcast %broadcast_in_dim3A_11 : i32 to vector<16xi32>
    %gather3A_13 = tpu.vector_load_idx %arg9[%broadcast_in_dim3A_12] : memref<72xf32, #tpu.memory_space<vmem>>[vector<16xi32>], vector<16xf32>,
    %broadcast_in_dim3A_14 = arith.constant 13 : i32
    %broadcast_in_dim3A_15 = vector.broadcast %broadcast_in_dim3A_14 : i32 to vector<16xi32>
    %gather3A_16 = tpu.vector_load_idx %arg9[%broadcast_in_dim3A_15] : memref<72xf32, #tpu.memory_space<vmem>>[vector<16xi32>], vector<16xf32>,
    %broadcast_in_dim3A_17 = arith.constant 14 : i32
    %broadcast_in_dim3A_18 = vector.broadcast %broadcast_in_dim3A_17 : i32 to vector<16xi32>
    %gather3A_19 = tpu.vector_load_idx %arg9[%broadcast_in_dim3A_18] : memref<72xf32, #tpu.memory_space<vmem>>[vector<16xi32>], vector<16xf32>,
    %broadcast_in_dim3A_20 = arith.constant 15 : i32
    %broadcast_in_dim3A_21 = vector.broadcast %broadcast_in_dim3A_20 : i32 to vector<16xi32>
    %gather3A_22 = tpu.vector_load_idx %arg9[%broadcast_in_dim3A_21] : memref<72xf32, #tpu.memory_space<vmem>>[vector<16xi32>], vector<16xf32>,
    %broadcast_in_dim3A_23 = arith.constant 16 : i32
    %broadcast_in_dim3A_24 = vector.broadcast %broadcast_in_dim3A_23 : i32 to vector<16xi32>
    %gather3A_25 = tpu.vector_load_idx %arg9[%broadcast_in_dim3A_24] : memref<72xf32, #tpu.memory_space<vmem>>[vector<16xi32>], vector<16xf32>,
    %broadcast_in_dim3A_26 = arith.constant 17 : i32
    %broadcast_in_dim3A_27 = vector.broadcast %broadcast_in_dim3A_26 : i32 to vector<16xi32>
    %gather3A_28 = tpu.vector_load_idx %arg9[%broadcast_in_dim3A_27] : memref<72xf32, #tpu.memory_space<vmem>>[vector<16xi32>], vector<16xf32>,
    %broadcast_in_dim3A_29 = arith.constant 18 : i32
    %broadcast_in_dim3A_30 = vector.broadcast %broadcast_in_dim3A_29 : i32 to vector<16xi32>
    %gather3A_31 = tpu.vector_load_idx %arg9[%broadcast_in_dim3A_30] : memref<72xf32, #tpu.memory_space<vmem>>[vector<16xi32>], vector<16xf32>,
    %broadcast_in_dim3A_32 = arith.constant 19 : i32
    %broadcast_in_dim3A_33 = vector.broadcast %broadcast_in_dim3A_32 : i32 to vector<16xi32>
    %gather3A_34 = tpu.vector_load_idx %arg9[%broadcast_in_dim3A_33] : memref<72xf32, #tpu.memory_space<vmem>>[vector<16xi32>], vector<16xf32>,
    %broadcast_in_dim3A_35 = arith.constant 20 : i32
    %broadcast_in_dim3A_36 = vector.broadcast %broadcast_in_dim3A_35 : i32 to vector<16xi32>
    %gather3A_37 = tpu.vector_load_idx %arg9[%broadcast_in_dim3A_36] : memref<72xf32, #tpu.memory_space<vmem>>[vector<16xi32>], vector<16xf32>,
    %broadcast_in_dim3A_38 = arith.constant 21 : i32
    %broadcast_in_dim3A_39 = vector.broadcast %broadcast_in_dim3A_38 : i32 to vector<16xi32>
    %gather3A_40 = tpu.vector_load_idx %arg9[%broadcast_in_dim3A_39] : memref<72xf32, #tpu.memory_space<vmem>>[vector<16xi32>], vector<16xf32>,
    %broadcast_in_dim3A_41 = arith.constant 22 : i32
    %broadcast_in_dim3A_42 = vector.broadcast %broadcast_in_dim3A_41 : i32 to vector<16xi32>
    %gather3A_43 = tpu.vector_load_idx %arg9[%broadcast_in_dim3A_42] : memref<72xf32, #tpu.memory_space<vmem>>[vector<16xi32>], vector<16xf32>,
    %broadcast_in_dim3A_44 = arith.constant 23 : i32
    %broadcast_in_dim3A_45 = vector.broadcast %broadcast_in_dim3A_44 : i32 to vector<16xi32>
    %gather3A_46 = tpu.vector_load_idx %arg9[%broadcast_in_dim3A_45] : memref<72xf32, #tpu.memory_space<vmem>>[vector<16xi32>], vector<16xf32>,
    %broadcast_in_dim3A_47 = arith.constant 24 : i32
    %broadcast_in_dim3A_48 = vector.broadcast %broadcast_in_dim3A_47 : i32 to vector<16xi32>
    %gather3A_49 = tpu.vector_load_idx %arg9[%broadcast_in_dim3A_48] : memref<72xf32, #tpu.memory_space<vmem>>[vector<16xi32>], vector<16xf32>,
    %broadcast_in_dim3A_50 = arith.constant 25 : i32
    %broadcast_in_dim3A_51 = vector.broadcast %broadcast_in_dim3A_50 : i32 to vector<16xi32>
    %gather3A_52 = tpu.vector_load_idx %arg9[%broadcast_in_dim3A_51] : memref<72xf32, #tpu.memory_space<vmem>>[vector<16xi32>], vector<16xf32>,
    %broadcast_in_dim3A_53 = arith.constant 26 : i32
    %broadcast_in_dim3A_54 = vector.broadcast %broadcast_in_dim3A_53 : i32 to vector<16xi32>
    %gather3A_55 = tpu.vector_load_idx %arg9[%broadcast_in_dim3A_54] : memref<72xf32, #tpu.memory_space<vmem>>[vector<16xi32>], vector<16xf32>,
    %broadcast_in_dim3A_56 = arith.constant 27 : i32
    %broadcast_in_dim3A_57 = vector.broadcast %broadcast_in_dim3A_56 : i32 to vector<16xi32>
    %gather3A_58 = tpu.vector_load_idx %arg9[%broadcast_in_dim3A_57] : memref<72xf32, #tpu.memory_space<vmem>>[vector<16xi32>], vector<16xf32>,
    %broadcast_in_dim3A_59 = arith.constant 28 : i32
    %broadcast_in_dim3A_60 = vector.broadcast %broadcast_in_dim3A_59 : i32 to vector<16xi32>
    %gather3A_61 = tpu.vector_load_idx %arg9[%broadcast_in_dim3A_60] : memref<72xf32, #tpu.memory_space<vmem>>[vector<16xi32>], vector<16xf32>,
    %broadcast_in_dim3A_62 = arith.constant 29 : i32
    %broadcast_in_dim3A_63 = vector.broadcast %broadcast_in_dim3A_62 : i32 to vector<16xi32>
    %gather3A_64 = tpu.vector_load_idx %arg9[%broadcast_in_dim3A_63] : memref<72xf32, #tpu.memory_space<vmem>>[vector<16xi32>], vector<16xf32>,
    %broadcast_in_dim3A_65 = arith.constant 30 : i32
    %broadcast_in_dim3A_66 = vector.broadcast %broadcast_in_dim3A_65 : i32 to vector<16xi32>
    %gather3A_67 = tpu.vector_load_idx %arg9[%broadcast_in_dim3A_66] : memref<72xf32, #tpu.memory_space<vmem>>[vector<16xi32>], vector<16xf32>,
    %broadcast_in_dim3A_68 = arith.constant 31 : i32
    %broadcast_in_dim3A_69 = vector.broadcast %broadcast_in_dim3A_68 : i32 to vector<16xi32>
    %gather3A_70 = tpu.vector_load_idx %arg9[%broadcast_in_dim3A_69] : memref<72xf32, #tpu.memory_space<vmem>>[vector<16xi32>], vector<16xf32>,
    %broadcast_in_dim3A_71 = arith.constant 32 : i32
    %broadcast_in_dim3A_72 = vector.broadcast %broadcast_in_dim3A_71 : i32 to vector<16xi32>
    %gather3A_73 = tpu.vector_load_idx %arg9[%broadcast_in_dim3A_72] : memref<72xf32, #tpu.memory_space<vmem>>[vector<16xi32>], vector<16xf32>,
    %broadcast_in_dim3A_74 = arith.constant 33 : i32
    %broadcast_in_dim3A_75 = vector.broadcast %broadcast_in_dim3A_74 : i32 to vector<16xi32>
    %gather3A_76 = tpu.vector_load_idx %arg9[%broadcast_in_dim3A_75] : memref<72xf32, #tpu.memory_space<vmem>>[vector<16xi32>], vector<16xf32>,
    %broadcast_in_dim3A_77 = arith.constant 34 : i32
    %broadcast_in_dim3A_78 = vector.broadcast %broadcast_in_dim3A_77 : i32 to vector<16xi32>
    %gather3A_79 = tpu.vector_load_idx %arg9[%broadcast_in_dim3A_78] : memref<72xf32, #tpu.memory_space<vmem>>[vector<16xi32>], vector<16xf32>,
    %broadcast_in_dim3A_80 = arith.constant 35 : i32
    %broadcast_in_dim3A_81 = vector.broadcast %broadcast_in_dim3A_80 : i32 to vector<16xi32>
    %gather3A_82 = tpu.vector_load_idx %arg9[%broadcast_in_dim3A_81] : memref<72xf32, #tpu.memory_space<vmem>>[vector<16xi32>], vector<16xf32>,
    %broadcast_in_dim3A_83 = arith.constant 36 : i32
    %broadcast_in_dim3A_84 = vector.broadcast %broadcast_in_dim3A_83 : i32 to vector<16xi32>
    %gather3A_85 = tpu.vector_load_idx %arg9[%broadcast_in_dim3A_84] : memref<72xf32, #tpu.memory_space<vmem>>[vector<16xi32>], vector<16xf32>,
    %broadcast_in_dim3A_86 = arith.constant 37 : i32
    %broadcast_in_dim3A_87 = vector.broadcast %broadcast_in_dim3A_86 : i32 to vector<16xi32>
    %gather3A_88 = tpu.vector_load_idx %arg9[%broadcast_in_dim3A_87] : memref<72xf32, #tpu.memory_space<vmem>>[vector<16xi32>], vector<16xf32>,
    %broadcast_in_dim3A_89 = arith.constant 38 : i32
    %broadcast_in_dim3A_90 = vector.broadcast %broadcast_in_dim3A_89 : i32 to vector<16xi32>
    %gather3A_91 = tpu.vector_load_idx %arg9[%broadcast_in_dim3A_90] : memref<72xf32, #tpu.memory_space<vmem>>[vector<16xi32>], vector<16xf32>,
    %broadcast_in_dim3A_92 = arith.constant 39 : i32
    %broadcast_in_dim3A_93 = vector.broadcast %broadcast_in_dim3A_92 : i32 to vector<16xi32>
    %gather3A_94 = tpu.vector_load_idx %arg9[%broadcast_in_dim3A_93] : memref<72xf32, #tpu.memory_space<vmem>>[vector<16xi32>], vector<16xf32>,
    %broadcast_in_dim3A_95 = arith.constant 40 : i32
    %broadcast_in_dim3A_96 = vector.broadcast %broadcast_in_dim3A_95 : i32 to vector<16xi32>
    %gather3A_97 = tpu.vector_load_idx %arg9[%broadcast_in_dim3A_96] : memref<72xf32, #tpu.memory_space<vmem>>[vector<16xi32>], vector<16xf32>,
    %broadcast_in_dim3A_98 = arith.constant 41 : i32
    %broadcast_in_dim3A_99 = vector.broadcast %broadcast_in_dim3A_98 : i32 to vector<16xi32>
    %gather3A_100 = tpu.vector_load_idx %arg9[%broadcast_in_dim3A_99] : memref<72xf32, #tpu.memory_space<vmem>>[vector<16xi32>], vector<16xf32>,
    %broadcast_in_dim3A_101 = arith.constant 42 : i32
    %broadcast_in_dim3A_102 = vector.broadcast %broadcast_in_dim3A_101 : i32 to vector<16xi32>
    %gather3A_103 = tpu.vector_load_idx %arg9[%broadcast_in_dim3A_102] : memref<72xf32, #tpu.memory_space<vmem>>[vector<16xi32>], vector<16xf32>,
    %broadcast_in_dim3A_104 = arith.constant 43 : i32
    %broadcast_in_dim3A_105 = vector.broadcast %broadcast_in_dim3A_104 : i32 to vector<16xi32>
    %gather3A_106 = tpu.vector_load_idx %arg9[%broadcast_in_dim3A_105] : memref<72xf32, #tpu.memory_space<vmem>>[vector<16xi32>], vector<16xf32>,
    %broadcast_in_dim3A_107 = arith.constant 44 : i32
    %broadcast_in_dim3A_108 = vector.broadcast %broadcast_in_dim3A_107 : i32 to vector<16xi32>
    %gather3A_109 = tpu.vector_load_idx %arg9[%broadcast_in_dim3A_108] : memref<72xf32, #tpu.memory_space<vmem>>[vector<16xi32>], vector<16xf32>,
    %broadcast_in_dim3A_110 = arith.constant 45 : i32
    %broadcast_in_dim3A_111 = vector.broadcast %broadcast_in_dim3A_110 : i32 to vector<16xi32>
    %gather3A_112 = tpu.vector_load_idx %arg9[%broadcast_in_dim3A_111] : memref<72xf32, #tpu.memory_space<vmem>>[vector<16xi32>], vector<16xf32>,
    %broadcast_in_dim3A_113 = arith.constant 46 : i32
    %broadcast_in_dim3A_114 = vector.broadcast %broadcast_in_dim3A_113 : i32 to vector<16xi32>
    %gather3A_115 = tpu.vector_load_idx %arg9[%broadcast_in_dim3A_114] : memref<72xf32, #tpu.memory_space<vmem>>[vector<16xi32>], vector<16xf32>,
    %broadcast_in_dim3A_116 = arith.constant 47 : i32
    %broadcast_in_dim3A_117 = vector.broadcast %broadcast_in_dim3A_116 : i32 to vector<16xi32>
    %gather3A_118 = tpu.vector_load_idx %arg9[%broadcast_in_dim3A_117] : memref<72xf32, #tpu.memory_space<vmem>>[vector<16xi32>], vector<16xf32>,
    %broadcast_in_dim3A_119 = arith.constant 48 : i32
    %broadcast_in_dim3A_120 = vector.broadcast %broadcast_in_dim3A_119 : i32 to vector<16xi32>
    %gather3A_121 = tpu.vector_load_idx %arg9[%broadcast_in_dim3A_120] : memref<72xf32, #tpu.memory_space<vmem>>[vector<16xi32>], vector<16xf32>,
    %broadcast_in_dim3A_122 = arith.constant 49 : i32
    %broadcast_in_dim3A_123 = vector.broadcast %broadcast_in_dim3A_122 : i32 to vector<16xi32>
    %gather3A_124 = tpu.vector_load_idx %arg9[%broadcast_in_dim3A_123] : memref<72xf32, #tpu.memory_space<vmem>>[vector<16xi32>], vector<16xf32>,
    %broadcast_in_dim3A_125 = arith.constant 50 : i32
    %broadcast_in_dim3A_126 = vector.broadcast %broadcast_in_dim3A_125 : i32 to vector<16xi32>
    %gather3A_127 = tpu.vector_load_idx %arg9[%broadcast_in_dim3A_126] : memref<72xf32, #tpu.memory_space<vmem>>[vector<16xi32>], vector<16xf32>,
    %broadcast_in_dim3A_128 = arith.constant 51 : i32
    %broadcast_in_dim3A_129 = vector.broadcast %broadcast_in_dim3A_128 : i32 to vector<16xi32>
    %gather3A_130 = tpu.vector_load_idx %arg9[%broadcast_in_dim3A_129] : memref<72xf32, #tpu.memory_space<vmem>>[vector<16xi32>], vector<16xf32>,
    %broadcast_in_dim3A_131 = arith.constant 52 : i32
    %broadcast_in_dim3A_132 = vector.broadcast %broadcast_in_dim3A_131 : i32 to vector<16xi32>
    %gather3A_133 = tpu.vector_load_idx %arg9[%broadcast_in_dim3A_132] : memref<72xf32, #tpu.memory_space<vmem>>[vector<16xi32>], vector<16xf32>,
    %broadcast_in_dim3A_134 = arith.constant 53 : i32
    %broadcast_in_dim3A_135 = vector.broadcast %broadcast_in_dim3A_134 : i32 to vector<16xi32>
    %gather3A_136 = tpu.vector_load_idx %arg9[%broadcast_in_dim3A_135] : memref<72xf32, #tpu.memory_space<vmem>>[vector<16xi32>], vector<16xf32>,
    %broadcast_in_dim3A_137 = arith.constant 54 : i32
    %broadcast_in_dim3A_138 = vector.broadcast %broadcast_in_dim3A_137 : i32 to vector<16xi32>
    %gather3A_139 = tpu.vector_load_idx %arg9[%broadcast_in_dim3A_138] : memref<72xf32, #tpu.memory_space<vmem>>[vector<16xi32>], vector<16xf32>,
    %broadcast_in_dim3A_140 = arith.constant 55 : i32
    %broadcast_in_dim3A_141 = vector.broadcast %broadcast_in_dim3A_140 : i32 to vector<16xi32>
    %gather3A_142 = tpu.vector_load_idx %arg9[%broadcast_in_dim3A_141] : memref<72xf32, #tpu.memory_space<vmem>>[vector<16xi32>], vector<16xf32>,
    %broadcast_in_dim3A_143 = arith.constant 56 : i32
    %broadcast_in_dim3A_144 = vector.broadcast %broadcast_in_dim3A_143 : i32 to vector<16xi32>
    %gather3A_145 = tpu.vector_load_idx %arg9[%broadcast_in_dim3A_144] : memref<72xf32, #tpu.memory_space<vmem>>[vector<16xi32>], vector<16xf32>,
    %broadcast_in_dim3A_146 = arith.constant 57 : i32
    %broadcast_in_dim3A_147 = vector.broadcast %broadcast_in_dim3A_146 : i32 to vector<16xi32>
    %gather3A_148 = tpu.vector_load_idx %arg9[%broadcast_in_dim3A_147] : memref<72xf32, #tpu.memory_space<vmem>>[vector<16xi32>], vector<16xf32>,
    %broadcast_in_dim3A_149 = arith.constant 58 : i32
    %broadcast_in_dim3A_150 = vector.broadcast %broadcast_in_dim3A_149 : i32 to vector<16xi32>
    %gather3A_151 = tpu.vector_load_idx %arg9[%broadcast_in_dim3A_150] : memref<72xf32, #tpu.memory_space<vmem>>[vector<16xi32>], vector<16xf32>,
    %broadcast_in_dim3A_152 = arith.constant 59 : i32
    %broadcast_in_dim3A_153 = vector.broadcast %broadcast_in_dim3A_152 : i32 to vector<16xi32>
    %gather3A_154 = tpu.vector_load_idx %arg9[%broadcast_in_dim3A_153] : memref<72xf32, #tpu.memory_space<vmem>>[vector<16xi32>], vector<16xf32>,
    %broadcast_in_dim3A_155 = arith.constant 60 : i32
    %broadcast_in_dim3A_156 = vector.broadcast %broadcast_in_dim3A_155 : i32 to vector<16xi32>
    %gather3A_157 = tpu.vector_load_idx %arg9[%broadcast_in_dim3A_156] : memref<72xf32, #tpu.memory_space<vmem>>[vector<16xi32>], vector<16xf32>,
    %broadcast_in_dim3A_158 = arith.constant 61 : i32
    %broadcast_in_dim3A_159 = vector.broadcast %broadcast_in_dim3A_158 : i32 to vector<16xi32>
    %gather3A_160 = tpu.vector_load_idx %arg9[%broadcast_in_dim3A_159] : memref<72xf32, #tpu.memory_space<vmem>>[vector<16xi32>], vector<16xf32>,
    %broadcast_in_dim3A_161 = arith.constant 62 : i32
    %broadcast_in_dim3A_162 = vector.broadcast %broadcast_in_dim3A_161 : i32 to vector<16xi32>
    %gather3A_163 = tpu.vector_load_idx %arg9[%broadcast_in_dim3A_162] : memref<72xf32, #tpu.memory_space<vmem>>[vector<16xi32>], vector<16xf32>,
    %broadcast_in_dim3A_164 = arith.constant 63 : i32
    %broadcast_in_dim3A_165 = vector.broadcast %broadcast_in_dim3A_164 : i32 to vector<16xi32>
    %gather3A_166 = tpu.vector_load_idx %arg9[%broadcast_in_dim3A_165] : memref<72xf32, #tpu.memory_space<vmem>>[vector<16xi32>], vector<16xf32>,
    %broadcast_in_dim3A_167 = arith.constant 64 : i32
    %broadcast_in_dim3A_168 = vector.broadcast %broadcast_in_dim3A_167 : i32 to vector<16xi32>
    %gather3A_169 = tpu.vector_load_idx %arg9[%broadcast_in_dim3A_168] : memref<72xf32, #tpu.memory_space<vmem>>[vector<16xi32>], vector<16xf32>,
    %broadcast_in_dim3A_170 = arith.constant 65 : i32
    %broadcast_in_dim3A_171 = vector.broadcast %broadcast_in_dim3A_170 : i32 to vector<16xi32>
    %gather3A_172 = tpu.vector_load_idx %arg9[%broadcast_in_dim3A_171] : memref<72xf32, #tpu.memory_space<vmem>>[vector<16xi32>], vector<16xf32>,
    %broadcast_in_dim3A_173 = arith.constant 66 : i32
    %broadcast_in_dim3A_174 = vector.broadcast %broadcast_in_dim3A_173 : i32 to vector<16xi32>
    %gather3A_175 = tpu.vector_load_idx %arg9[%broadcast_in_dim3A_174] : memref<72xf32, #tpu.memory_space<vmem>>[vector<16xi32>], vector<16xf32>,
    %broadcast_in_dim3A_176 = arith.constant 67 : i32
    %broadcast_in_dim3A_177 = vector.broadcast %broadcast_in_dim3A_176 : i32 to vector<16xi32>
    %gather3A_178 = tpu.vector_load_idx %arg9[%broadcast_in_dim3A_177] : memref<72xf32, #tpu.memory_space<vmem>>[vector<16xi32>], vector<16xf32>,
    %broadcast_in_dim3A_179 = arith.constant 68 : i32
    %broadcast_in_dim3A_180 = vector.broadcast %broadcast_in_dim3A_179 : i32 to vector<16xi32>
    %gather3A_181 = tpu.vector_load_idx %arg9[%broadcast_in_dim3A_180] : memref<72xf32, #tpu.memory_space<vmem>>[vector<16xi32>], vector<16xf32>,
    %broadcast_in_dim3A_182 = arith.constant 69 : i32
    %broadcast_in_dim3A_183 = vector.broadcast %broadcast_in_dim3A_182 : i32 to vector<16xi32>
    %gather3A_184 = tpu.vector_load_idx %arg9[%broadcast_in_dim3A_183] : memref<72xf32, #tpu.memory_space<vmem>>[vector<16xi32>], vector<16xf32>,
    %broadcast_in_dim3A_185 = arith.constant 70 : i32
    %broadcast_in_dim3A_186 = vector.broadcast %broadcast_in_dim3A_185 : i32 to vector<16xi32>
    %gather3A_187 = tpu.vector_load_idx %arg9[%broadcast_in_dim3A_186] : memref<72xf32, #tpu.memory_space<vmem>>[vector<16xi32>], vector<16xf32>,
    %broadcast_in_dim3A_188 = arith.constant 71 : i32
    %broadcast_in_dim3A_189 = vector.broadcast %broadcast_in_dim3A_188 : i32 to vector<16xi32>
    %gather3A_190 = tpu.vector_load_idx %arg9[%broadcast_in_dim3A_189] : memref<72xf32, #tpu.memory_space<vmem>>[vector<16xi32>], vector<16xf32>,
    %mul3A_191 = arith.constant 400 : i32
    %mul3A_192 = arith.muli %add3A, %mul3A_191 : i32
    %dma_start3A = tpu.memref_slice %arg3[%mul3A_192] : memref<800000xi32, #tpu.memory_space<hbm>> -> memref<400xi32, #tpu.memory_space<hbm>>
    %dma_start3A_193 = tpu.memref_slice %arg3[%mul3A_192] : memref<800000xi32, #tpu.memory_space<hbm>> -> memref<400xi32, #tpu.memory_space<hbm>>
    tpu.enqueue_dma source(%dma_start3A_193 : memref<400xi32, #tpu.memory_space<hbm>>) target(%arg10 : memref<400xi32, #tpu.memory_space<vmem>>) target_semaphore(%arg19 : memref<!tpu.dma_semaphore, #tpu.memory_space<semaphore_mem>>)
    %dma_start3A_194 = tpu.memref_slice %arg4[%mul3A_192] : memref<800000xi32, #tpu.memory_space<hbm>> -> memref<400xi32, #tpu.memory_space<hbm>>
    %dma_start3A_195 = tpu.memref_slice %arg4[%mul3A_192] : memref<800000xi32, #tpu.memory_space<hbm>> -> memref<400xi32, #tpu.memory_space<hbm>>
    tpu.enqueue_dma source(%dma_start3A_195 : memref<400xi32, #tpu.memory_space<hbm>>) target(%arg11 : memref<400xi32, #tpu.memory_space<vmem>>) target_semaphore(%arg19 : memref<!tpu.dma_semaphore, #tpu.memory_space<semaphore_mem>>)
    %scan3A = arith.constant 0 : i32
    %scan3A_196 = arith.constant 34 : i32
    %scan3A_197 = arith.addi %scan3A, %scan3A_196 : i32
    %scan3A_198 = arith.constant 1 : i32
    scf.for %scan3A_200 = %scan3A to %scan3A_197 step %scan3A_198  : i32 {
      %mul3A_201 = arith.constant 1 : i32
      %mul3A_202 = arith.muli %scan3A_200, %mul3A_201 : i32
      %add3A_203 = arith.constant 0 : i32
      %add3A_204 = arith.addi %add3A_203, %mul3A_202 : i32
      %mul3A_205 = arith.constant 2 : i32
      %mul3A_206 = arith.muli %mul3A_205, %add3A_204 : i32
      %add3A_207 = arith.constant 0 : i32
      %add3A_208 = arith.addi %mul3A_206, %add3A_207 : i32
      %mul3A_209 = arith.constant 32 : i32
      %mul3A_210 = arith.muli %add3A_208, %mul3A_209 : i32
      %add3A_211 = arith.addi %add3A, %mul3A_210 : i32
      %sub3A = arith.constant 32 : i32
      %sub3A_212 = arith.subi %add3A_211, %sub3A : i32
      %sub3A_213 = arith.constant 64 : i32
      %sub3A_214 = arith.subi %add3A_211, %sub3A_213 : i32
      %lt3A = arith.constant 2000 : i32
      %lt3A_215 = arith.cmpi slt, %add3A_211, %lt3A : i32
      %convert_element_type3A = arith.extui %lt3A_215 : i1 to i32
      %cond3A = arith.constant 0 : i32
      %cond3A_216 = arith.cmpi ne, %convert_element_type3A, %cond3A : i32
      scf.if %cond3A_216 {
        %mul3A_287 = arith.constant 400 : i32
        %mul3A_288 = arith.muli %add3A_211, %mul3A_287 : i32
        %dma_wait3A = tpu.memref_slice %arg3[%mul3A_288] : memref<800000xi32, #tpu.memory_space<hbm>> -> memref<400xi32, #tpu.memory_space<hbm>>
        %dma_wait3A_289 = tpu.memref_slice %arg3[%mul3A_288] : memref<800000xi32, #tpu.memory_space<hbm>> -> memref<400xi32, #tpu.memory_space<hbm>>
        tpu.wait_dma2 semaphore(%arg19 : memref<!tpu.dma_semaphore, #tpu.memory_space<semaphore_mem>>) src(%dma_wait3A_289 : memref<400xi32, #tpu.memory_space<hbm>>) dst(%arg10 : memref<400xi32, #tpu.memory_space<vmem>>)
        %dma_wait3A_290 = tpu.memref_slice %arg4[%mul3A_288] : memref<800000xi32, #tpu.memory_space<hbm>> -> memref<400xi32, #tpu.memory_space<hbm>>
        %dma_wait3A_291 = tpu.memref_slice %arg4[%mul3A_288] : memref<800000xi32, #tpu.memory_space<hbm>> -> memref<400xi32, #tpu.memory_space<hbm>>
        tpu.wait_dma2 semaphore(%arg19 : memref<!tpu.dma_semaphore, #tpu.memory_space<semaphore_mem>>) src(%dma_wait3A_291 : memref<400xi32, #tpu.memory_space<hbm>>) dst(%arg11 : memref<400xi32, #tpu.memory_space<vmem>>)
        %dma_start3A_292 = arith.constant 0 : i32
        %dma_start3A_293 = arith.constant 0 : i32
        %dma_start3A_294 = tpu.memref_slice %arg2[%dma_start3A_292, %dma_start3A_293] : memref<50000x16xf32, #tpu.memory_space<hbm>> -> memref<50000x16xf32, #tpu.memory_space<hbm>>
        tpu.enqueue_indirect_dma source(%dma_start3A_294 : memref<50000x16xf32, #tpu.memory_space<hbm>>) target(%arg12 : memref<400x16xf32, #tpu.memory_space<vmem>>) offsets(%arg10 : memref<400xi32, #tpu.memory_space<vmem>>) semaphore(%arg20 : memref<!tpu.dma_semaphore, #tpu.memory_space<semaphore_mem>>)
        %dma_start3A_295 = arith.constant 0 : i32
        %dma_start3A_296 = arith.constant 0 : i32
        %dma_start3A_297 = tpu.memref_slice %arg2[%dma_start3A_295, %dma_start3A_296] : memref<50000x16xf32, #tpu.memory_space<hbm>> -> memref<50000x16xf32, #tpu.memory_space<hbm>>
        tpu.enqueue_indirect_dma source(%dma_start3A_297 : memref<50000x16xf32, #tpu.memory_space<hbm>>) target(%arg13 : memref<400x16xf32, #tpu.memory_space<vmem>>) offsets(%arg11 : memref<400xi32, #tpu.memory_space<vmem>>) semaphore(%arg20 : memref<!tpu.dma_semaphore, #tpu.memory_space<semaphore_mem>>)
      } else {
      }
      %ge3A = arith.constant 0 : i32
      %ge3A_217 = arith.cmpi sge, %sub3A_212, %ge3A : i32
      %lt3A_218 = arith.constant 2000 : i32
      %lt3A_219 = arith.cmpi slt, %sub3A_212, %lt3A_218 : i32
      %and3A = arith.andi %ge3A_217, %lt3A_219 : i1
      %convert_element_type3A_220 = arith.extui %and3A : i1 to i32
      %cond3A_221 = arith.constant 0 : i32
      %cond3A_222 = arith.cmpi ne, %convert_element_type3A_220, %cond3A_221 : i32
      scf.if %cond3A_222 {
        %dma_wait3A = arith.constant 0 : i32
        %dma_wait3A_287 = arith.constant 0 : i32
        %dma_wait3A_288 = tpu.memref_slice %arg5[%dma_wait3A, %dma_wait3A_287] : memref<32x32xf32, #tpu.memory_space<hbm>> -> memref<32x32xf32, #tpu.memory_space<hbm>>
        tpu.wait_indirect_dma semaphore(%arg34 : memref<!tpu.dma_semaphore, #tpu.memory_space<semaphore_mem>>) src(%dma_wait3A_288 : memref<32x32xf32, #tpu.memory_space<hbm>>) dst(%arg30 : memref<400x32xf32, #tpu.memory_space<vmem>>)
        %dma_wait3A_289 = arith.constant 0 : i32
        %dma_wait3A_290 = arith.constant 0 : i32
        %dma_wait3A_291 = tpu.memref_slice %arg6[%dma_wait3A_289, %dma_wait3A_290] : memref<32x32xf32, #tpu.memory_space<hbm>> -> memref<32x32xf32, #tpu.memory_space<hbm>>
        tpu.wait_indirect_dma semaphore(%arg34 : memref<!tpu.dma_semaphore, #tpu.memory_space<semaphore_mem>>) src(%dma_wait3A_291 : memref<32x32xf32, #tpu.memory_space<hbm>>) dst(%arg31 : memref<400x32xf32, #tpu.memory_space<vmem>>)
        %mul3A_292 = arith.constant 400 : i32
        %mul3A_293 = arith.muli %sub3A_212, %mul3A_292 : i32
        %dma_start3A_294 = arith.constant 0 : i32
        %dma_start3A_295 = arith.constant 0 : i32
        %dma_start3A_296 = tpu.memref_slice %arg29[%dma_start3A_294, %dma_start3A_295] : memref<400x17xf32, #tpu.memory_space<vmem>> -> memref<400x16xf32, #tpu.memory_space<vmem>>
        %dma_start3A_297 = arith.constant 0 : i32
        %dma_start3A_298 = tpu.memref_slice %arg8[%mul3A_293, %dma_start3A_297] : memref<800000x72xf32, #tpu.memory_space<hbm>> -> memref<400x16xf32, #tpu.memory_space<hbm>>
        %dma_start3A_299 = arith.constant 0 : i32
        %dma_start3A_300 = tpu.memref_slice %arg8[%mul3A_293, %dma_start3A_299] : memref<800000x72xf32, #tpu.memory_space<hbm>> -> memref<400x16xf32, #tpu.memory_space<hbm>>
        %dma_start3A_301 = arith.constant 0 : i32
        %dma_start3A_302 = arith.constant 0 : i32
        %dma_start3A_303 = tpu.memref_slice %arg29[%dma_start3A_301, %dma_start3A_302] : memref<400x17xf32, #tpu.memory_space<vmem>> -> memref<400x16xf32, #tpu.memory_space<vmem>>
        tpu.enqueue_dma source(%dma_start3A_303 : memref<400x16xf32, #tpu.memory_space<vmem>>) target(%dma_start3A_300 : memref<400x16xf32, #tpu.memory_space<hbm>>) target_semaphore(%arg35 : memref<!tpu.dma_semaphore, #tpu.memory_space<semaphore_mem>>)
        %dma_start3A_304 = arith.constant 8 : i32
        %dma_start3A_305 = tpu.memref_slice %arg8[%mul3A_293, %dma_start3A_304] : memref<800000x72xf32, #tpu.memory_space<hbm>> -> memref<400x32xf32, #tpu.memory_space<hbm>>
        %dma_start3A_306 = arith.constant 8 : i32
        %dma_start3A_307 = tpu.memref_slice %arg8[%mul3A_293, %dma_start3A_306] : memref<800000x72xf32, #tpu.memory_space<hbm>> -> memref<400x32xf32, #tpu.memory_space<hbm>>
        tpu.enqueue_dma source(%arg30 : memref<400x32xf32, #tpu.memory_space<vmem>>) target(%dma_start3A_307 : memref<400x32xf32, #tpu.memory_space<hbm>>) target_semaphore(%arg35 : memref<!tpu.dma_semaphore, #tpu.memory_space<semaphore_mem>>)
        %dma_start3A_308 = arith.constant 40 : i32
        %dma_start3A_309 = tpu.memref_slice %arg8[%mul3A_293, %dma_start3A_308] : memref<800000x72xf32, #tpu.memory_space<hbm>> -> memref<400x32xf32, #tpu.memory_space<hbm>>
        %dma_start3A_310 = arith.constant 40 : i32
        %dma_start3A_311 = tpu.memref_slice %arg8[%mul3A_293, %dma_start3A_310] : memref<800000x72xf32, #tpu.memory_space<hbm>> -> memref<400x32xf32, #tpu.memory_space<hbm>>
        tpu.enqueue_dma source(%arg31 : memref<400x32xf32, #tpu.memory_space<vmem>>) target(%dma_start3A_311 : memref<400x32xf32, #tpu.memory_space<hbm>>) target_semaphore(%arg35 : memref<!tpu.dma_semaphore, #tpu.memory_space<semaphore_mem>>)
      } else {
      }
      %ge3A_223 = arith.constant 0 : i32
      %ge3A_224 = arith.cmpi sge, %sub3A_214, %ge3A_223 : i32
      %lt3A_225 = arith.constant 2000 : i32
      %lt3A_226 = arith.cmpi slt, %sub3A_214, %lt3A_225 : i32
      %and3A_227 = arith.andi %ge3A_224, %lt3A_226 : i1
      %convert_element_type3A_228 = arith.extui %and3A_227 : i1 to i32
      %cond3A_229 = arith.constant 0 : i32
      %cond3A_230 = arith.cmpi ne, %convert_element_type3A_228, %cond3A_229 : i32
      scf.if %cond3A_230 {
        %mul3A_287 = arith.constant 400 : i32
        %mul3A_288 = arith.muli %sub3A_214, %mul3A_287 : i32
        %dma_wait3A = arith.constant 0 : i32
        %dma_wait3A_289 = arith.constant 0 : i32
        %dma_wait3A_290 = tpu.memref_slice %arg16[%dma_wait3A, %dma_wait3A_289] : memref<400x17xf32, #tpu.memory_space<vmem>> -> memref<400x16xf32, #tpu.memory_space<vmem>>
        %dma_wait3A_291 = arith.constant 0 : i32
        %dma_wait3A_292 = tpu.memref_slice %arg8[%mul3A_288, %dma_wait3A_291] : memref<800000x72xf32, #tpu.memory_space<hbm>> -> memref<400x16xf32, #tpu.memory_space<hbm>>
        %dma_wait3A_293 = arith.constant 0 : i32
        %dma_wait3A_294 = tpu.memref_slice %arg8[%mul3A_288, %dma_wait3A_293] : memref<800000x72xf32, #tpu.memory_space<hbm>> -> memref<400x16xf32, #tpu.memory_space<hbm>>
        %dma_wait3A_295 = arith.constant 0 : i32
        %dma_wait3A_296 = arith.constant 0 : i32
        %dma_wait3A_297 = tpu.memref_slice %arg16[%dma_wait3A_295, %dma_wait3A_296] : memref<400x17xf32, #tpu.memory_space<vmem>> -> memref<400x16xf32, #tpu.memory_space<vmem>>
        tpu.wait_dma2 semaphore(%arg22 : memref<!tpu.dma_semaphore, #tpu.memory_space<semaphore_mem>>) src(%dma_wait3A_297 : memref<400x16xf32, #tpu.memory_space<vmem>>) dst(%dma_wait3A_294 : memref<400x16xf32, #tpu.memory_space<hbm>>)
        %dma_wait3A_298 = arith.constant 8 : i32
        %dma_wait3A_299 = tpu.memref_slice %arg8[%mul3A_288, %dma_wait3A_298] : memref<800000x72xf32, #tpu.memory_space<hbm>> -> memref<400x32xf32, #tpu.memory_space<hbm>>
        %dma_wait3A_300 = arith.constant 8 : i32
        %dma_wait3A_301 = tpu.memref_slice %arg8[%mul3A_288, %dma_wait3A_300] : memref<800000x72xf32, #tpu.memory_space<hbm>> -> memref<400x32xf32, #tpu.memory_space<hbm>>
        tpu.wait_dma2 semaphore(%arg22 : memref<!tpu.dma_semaphore, #tpu.memory_space<semaphore_mem>>) src(%arg17 : memref<400x32xf32, #tpu.memory_space<vmem>>) dst(%dma_wait3A_301 : memref<400x32xf32, #tpu.memory_space<hbm>>)
        %dma_wait3A_302 = arith.constant 40 : i32
        %dma_wait3A_303 = tpu.memref_slice %arg8[%mul3A_288, %dma_wait3A_302] : memref<800000x72xf32, #tpu.memory_space<hbm>> -> memref<400x32xf32, #tpu.memory_space<hbm>>
        %dma_wait3A_304 = arith.constant 40 : i32
        %dma_wait3A_305 = tpu.memref_slice %arg8[%mul3A_288, %dma_wait3A_304] : memref<800000x72xf32, #tpu.memory_space<hbm>> -> memref<400x32xf32, #tpu.memory_space<hbm>>
        tpu.wait_dma2 semaphore(%arg22 : memref<!tpu.dma_semaphore, #tpu.memory_space<semaphore_mem>>) src(%arg18 : memref<400x32xf32, #tpu.memory_space<vmem>>) dst(%dma_wait3A_305 : memref<400x32xf32, #tpu.memory_space<hbm>>)
      } else {
      }
      %lt3A_231 = arith.constant 2000 : i32
      %lt3A_232 = arith.cmpi slt, %add3A_211, %lt3A_231 : i32
      %convert_element_type3A_233 = arith.extui %lt3A_232 : i1 to i32
      %cond3A_234 = arith.constant 0 : i32
      %cond3A_235 = arith.cmpi ne, %convert_element_type3A_233, %cond3A_234 : i32
      scf.if %cond3A_235 {
        %dma_wait3A = arith.constant 0 : i32
        %dma_wait3A_287 = arith.constant 0 : i32
        %dma_wait3A_288 = tpu.memref_slice %arg2[%dma_wait3A, %dma_wait3A_287] : memref<50000x16xf32, #tpu.memory_space<hbm>> -> memref<50000x16xf32, #tpu.memory_space<hbm>>
        tpu.wait_indirect_dma semaphore(%arg20 : memref<!tpu.dma_semaphore, #tpu.memory_space<semaphore_mem>>) src(%dma_wait3A_288 : memref<50000x16xf32, #tpu.memory_space<hbm>>) dst(%arg12 : memref<400x16xf32, #tpu.memory_space<vmem>>)
        %dma_wait3A_289 = arith.constant 0 : i32
        %dma_wait3A_290 = arith.constant 0 : i32
        %dma_wait3A_291 = tpu.memref_slice %arg2[%dma_wait3A_289, %dma_wait3A_290] : memref<50000x16xf32, #tpu.memory_space<hbm>> -> memref<50000x16xf32, #tpu.memory_space<hbm>>
        tpu.wait_indirect_dma semaphore(%arg20 : memref<!tpu.dma_semaphore, #tpu.memory_space<semaphore_mem>>) src(%dma_wait3A_291 : memref<50000x16xf32, #tpu.memory_space<hbm>>) dst(%arg13 : memref<400x16xf32, #tpu.memory_space<vmem>>)
        %scan3A_292 = arith.constant 0 : i32
        %scan3A_293 = arith.constant 25 : i32
        %scan3A_294 = arith.addi %scan3A_292, %scan3A_293 : i32
        %scan3A_295 = arith.constant 1 : i32
        scf.for %scan3A_303 = %scan3A_292 to %scan3A_294 step %scan3A_295  : i32 {
          %mul3A_304 = arith.constant 1 : i32
          %mul3A_305 = arith.muli %scan3A_303, %mul3A_304 : i32
          %add3A_306 = arith.constant 0 : i32
          %add3A_307 = arith.addi %add3A_306, %mul3A_305 : i32
          %mul3A_308 = arith.constant 16 : i32
          %mul3A_309 = arith.muli %add3A_307, %mul3A_308 : i32
          %add3A_310 = vector.broadcast %mul3A_309 : i32 to vector<16xi32>
          %add3A_311 = arith.addi %add3A_310, %iota3A : vector<16xi32>
          %broadcast_in_dim3A_312 = arith.constant 0 : i32
          %broadcast_in_dim3A_313 = vector.broadcast %broadcast_in_dim3A_312 : i32 to vector<16xi32>
          %gather3A_314 = tpu.vector_load_idx %arg12[%add3A_311, %broadcast_in_dim3A_313] : memref<400x16xf32, #tpu.memory_space<vmem>>[vector<16xi32>, vector<16xi32>], vector<16xf32>,
          %broadcast_in_dim3A_315 = arith.constant 1 : i32
          %broadcast_in_dim3A_316 = vector.broadcast %broadcast_in_dim3A_315 : i32 to vector<16xi32>
          %gather3A_317 = tpu.vector_load_idx %arg12[%add3A_311, %broadcast_in_dim3A_316] : memref<400x16xf32, #tpu.memory_space<vmem>>[vector<16xi32>, vector<16xi32>], vector<16xf32>,
          %broadcast_in_dim3A_318 = arith.constant 2 : i32
          %broadcast_in_dim3A_319 = vector.broadcast %broadcast_in_dim3A_318 : i32 to vector<16xi32>
          %gather3A_320 = tpu.vector_load_idx %arg12[%add3A_311, %broadcast_in_dim3A_319] : memref<400x16xf32, #tpu.memory_space<vmem>>[vector<16xi32>, vector<16xi32>], vector<16xf32>,
          %broadcast_in_dim3A_321 = arith.constant 3 : i32
          %broadcast_in_dim3A_322 = vector.broadcast %broadcast_in_dim3A_321 : i32 to vector<16xi32>
          %gather3A_323 = tpu.vector_load_idx %arg12[%add3A_311, %broadcast_in_dim3A_322] : memref<400x16xf32, #tpu.memory_space<vmem>>[vector<16xi32>, vector<16xi32>], vector<16xf32>,
          %convert_element_type3A_324 = arith.fptosi %gather3A_323 : vector<16xf32> to vector<16xi32>
          %broadcast_in_dim3A_325 = arith.constant 0 : i32
          %broadcast_in_dim3A_326 = vector.broadcast %broadcast_in_dim3A_325 : i32 to vector<16xi32>
          %gather3A_327 = tpu.vector_load_idx %arg13[%add3A_311, %broadcast_in_dim3A_326] : memref<400x16xf32, #tpu.memory_space<vmem>>[vector<16xi32>, vector<16xi32>], vector<16xf32>,
          %broadcast_in_dim3A_328 = arith.constant 1 : i32
          %broadcast_in_dim3A_329 = vector.broadcast %broadcast_in_dim3A_328 : i32 to vector<16xi32>
          %gather3A_330 = tpu.vector_load_idx %arg13[%add3A_311, %broadcast_in_dim3A_329] : memref<400x16xf32, #tpu.memory_space<vmem>>[vector<16xi32>, vector<16xi32>], vector<16xf32>,
          %broadcast_in_dim3A_331 = arith.constant 2 : i32
          %broadcast_in_dim3A_332 = vector.broadcast %broadcast_in_dim3A_331 : i32 to vector<16xi32>
          %gather3A_333 = tpu.vector_load_idx %arg13[%add3A_311, %broadcast_in_dim3A_332] : memref<400x16xf32, #tpu.memory_space<vmem>>[vector<16xi32>, vector<16xi32>], vector<16xf32>,
          %broadcast_in_dim3A_334 = arith.constant 3 : i32
          %broadcast_in_dim3A_335 = vector.broadcast %broadcast_in_dim3A_334 : i32 to vector<16xi32>
          %gather3A_336 = tpu.vector_load_idx %arg13[%add3A_311, %broadcast_in_dim3A_335] : memref<400x16xf32, #tpu.memory_space<vmem>>[vector<16xi32>, vector<16xi32>], vector<16xf32>,
          %convert_element_type3A_337 = arith.fptosi %gather3A_336 : vector<16xf32> to vector<16xi32>
          %mul3A_338 = arith.constant 16 : i32
          %mul3A_339 = arith.muli %add3A_307, %mul3A_338 : i32
          %swap3A = arith.index_cast %mul3A_339 : i32 to index
          %swap3A_340 = tpu.vector_load %arg14[%swap3A] {strides = array<i32>} : memref<400xi32, #tpu.memory_space<vmem>>, vector<16xi32>,
          tpu.vector_store %arg14[%swap3A], %convert_element_type3A_324 {strides = array<i32>} : memref<400xi32, #tpu.memory_space<vmem>>, vector<16xi32>,
          %mul3A_341 = arith.constant 16 : i32
          %mul3A_342 = arith.muli %add3A_307, %mul3A_341 : i32
          %swap3A_343 = arith.index_cast %mul3A_342 : i32 to index
          %swap3A_344 = tpu.vector_load %arg15[%swap3A_343] {strides = array<i32>} : memref<400xi32, #tpu.memory_space<vmem>>, vector<16xi32>,
          tpu.vector_store %arg15[%swap3A_343], %convert_element_type3A_337 {strides = array<i32>} : memref<400xi32, #tpu.memory_space<vmem>>, vector<16xi32>,
          %sub3A_345 = arith.subf %gather3A_327, %gather3A_314 : vector<16xf32>
          %sub3A_346 = arith.subf %gather3A_330, %gather3A_317 : vector<16xf32>
          %sub3A_347 = arith.subf %gather3A_333, %gather3A_320 : vector<16xf32>
          %mul3A_348 = arith.mulf %sub3A_345, %sub3A_345 : vector<16xf32>
          %mul3A_349 = arith.mulf %sub3A_346, %sub3A_346 : vector<16xf32>
          %add3A_350 = arith.addf %mul3A_348, %mul3A_349 : vector<16xf32>
          %mul3A_351 = arith.mulf %sub3A_347, %sub3A_347 : vector<16xf32>
          %add3A_352 = arith.addf %add3A_350, %mul3A_351 : vector<16xf32>
          %add3A_353 = arith.constant 9.99999996E-13 : f32
          %add3A_354 = vector.broadcast %add3A_353 : f32 to vector<16xf32>
          %add3A_355 = arith.addf %add3A_352, %add3A_354 : vector<16xf32>
          %bitcast3A = vector.bitcast %add3A_355 : vector<16xf32> to vector<16xi32>
          %shift_right_arithmetic3A = arith.constant 1 : i32
          %shift_right_arithmetic3A_356 = vector.broadcast %shift_right_arithmetic3A : i32 to vector<16xi32>
          %shift_right_arithmetic3A_357 = arith.shrsi %bitcast3A, %shift_right_arithmetic3A_356 : vector<16xi32>
          %sub3A_358 = arith.constant 1597463007 : i32
          %sub3A_359 = vector.broadcast %sub3A_358 : i32 to vector<16xi32>
          %sub3A_360 = arith.subi %sub3A_359, %shift_right_arithmetic3A_357 : vector<16xi32>
          %bitcast3A_361 = vector.bitcast %sub3A_360 : vector<16xi32> to vector<16xf32>
          %mul3A_362 = arith.constant 5.000000e-01 : f32
          %mul3A_363 = vector.broadcast %mul3A_362 : f32 to vector<16xf32>
          %mul3A_364 = arith.mulf %mul3A_363, %add3A_355 : vector<16xf32>
          %mul3A_365 = arith.mulf %mul3A_364, %bitcast3A_361 : vector<16xf32>
          %mul3A_366 = arith.mulf %mul3A_365, %bitcast3A_361 : vector<16xf32>
          %sub3A_367 = arith.constant 1.500000e+00 : f32
          %sub3A_368 = vector.broadcast %sub3A_367 : f32 to vector<16xf32>
          %sub3A_369 = arith.subf %sub3A_368, %mul3A_366 : vector<16xf32>
          %mul3A_370 = arith.mulf %bitcast3A_361, %sub3A_369 : vector<16xf32>
          %mul3A_371 = arith.constant 5.000000e-01 : f32
          %mul3A_372 = vector.broadcast %mul3A_371 : f32 to vector<16xf32>
          %mul3A_373 = arith.mulf %mul3A_372, %add3A_355 : vector<16xf32>
          %mul3A_374 = arith.mulf %mul3A_373, %mul3A_370 : vector<16xf32>
          %mul3A_375 = arith.mulf %mul3A_374, %mul3A_370 : vector<16xf32>
          %sub3A_376 = arith.constant 1.500000e+00 : f32
          %sub3A_377 = vector.broadcast %sub3A_376 : f32 to vector<16xf32>
          %sub3A_378 = arith.subf %sub3A_377, %mul3A_375 : vector<16xf32>
          %mul3A_379 = arith.mulf %mul3A_370, %sub3A_378 : vector<16xf32>
          %mul3A_380 = arith.constant 5.000000e-01 : f32
          %mul3A_381 = vector.broadcast %mul3A_380 : f32 to vector<16xf32>
          %mul3A_382 = arith.mulf %mul3A_381, %add3A_355 : vector<16xf32>
          %mul3A_383 = arith.mulf %mul3A_382, %mul3A_379 : vector<16xf32>
          %mul3A_384 = arith.mulf %mul3A_383, %mul3A_379 : vector<16xf32>
          %sub3A_385 = arith.constant 1.500000e+00 : f32
          %sub3A_386 = vector.broadcast %sub3A_385 : f32 to vector<16xf32>
          %sub3A_387 = arith.subf %sub3A_386, %mul3A_384 : vector<16xf32>
          %mul3A_388 = arith.mulf %mul3A_379, %sub3A_387 : vector<16xf32>
          %mul3A_389 = arith.mulf %add3A_355, %mul3A_388 : vector<16xf32>
          %mul3A_390 = arith.constant 0.628318548 : f32
          %mul3A_391 = vector.broadcast %mul3A_390 : f32 to vector<16xf32>
          %mul3A_392 = arith.mulf %mul3A_389, %mul3A_391 : vector<16xf32>
          %mul3A_393 = arith.constant 0.159154937 : f32
          %mul3A_394 = vector.broadcast %mul3A_393 : f32 to vector<16xf32>
          %mul3A_395 = arith.mulf %mul3A_392, %mul3A_394 : vector<16xf32>
          %add3A_396 = arith.constant 5.000000e-01 : f32
          %add3A_397 = vector.broadcast %add3A_396 : f32 to vector<16xf32>
          %add3A_398 = arith.addf %mul3A_395, %add3A_397 : vector<16xf32>
          %convert_element_type3A_399 = arith.fptosi %add3A_398 : vector<16xf32> to vector<16xi32>
          %convert_element_type3A_400 = arith.sitofp %convert_element_type3A_399 : vector<16xi32> to vector<16xf32>
          %mul3A_401 = arith.constant 6.28318548 : f32
          %mul3A_402 = vector.broadcast %mul3A_401 : f32 to vector<16xf32>
          %mul3A_403 = arith.mulf %convert_element_type3A_400, %mul3A_402 : vector<16xf32>
          %sub3A_404 = arith.subf %mul3A_392, %mul3A_403 : vector<16xf32>
          %mul3A_405 = arith.mulf %sub3A_404, %sub3A_404 : vector<16xf32>
          %mul3A_406 = arith.constant 2.173210e-06 : f32
          %mul3A_407 = vector.broadcast %mul3A_406 : f32 to vector<16xf32>
          %mul3A_408 = arith.mulf %mul3A_405, %mul3A_407 : vector<16xf32>
          %add3A_409 = arith.constant -1.93161817E-4 : f32
          %add3A_410 = vector.broadcast %add3A_409 : f32 to vector<16xf32>
          %add3A_411 = arith.addf %add3A_410, %mul3A_408 : vector<16xf32>
          %mul3A_412 = arith.mulf %mul3A_405, %add3A_411 : vector<16xf32>
          %add3A_413 = arith.constant 0.00831238274 : f32
          %add3A_414 = vector.broadcast %add3A_413 : f32 to vector<16xf32>
          %add3A_415 = arith.addf %add3A_414, %mul3A_412 : vector<16xf32>
          %mul3A_416 = arith.mulf %mul3A_405, %add3A_415 : vector<16xf32>
          %add3A_417 = arith.constant -0.166632578 : f32
          %add3A_418 = vector.broadcast %add3A_417 : f32 to vector<16xf32>
          %add3A_419 = arith.addf %add3A_418, %mul3A_416 : vector<16xf32>
          %mul3A_420 = arith.mulf %mul3A_405, %add3A_419 : vector<16xf32>
          %add3A_421 = arith.constant 0.999984562 : f32
          %add3A_422 = vector.broadcast %add3A_421 : f32 to vector<16xf32>
          %add3A_423 = arith.addf %add3A_422, %mul3A_420 : vector<16xf32>
          %mul3A_424 = arith.mulf %sub3A_404, %add3A_423 : vector<16xf32>
          %mul3A_425 = arith.constant -2.21936943E-7 : f32
          %mul3A_426 = vector.broadcast %mul3A_425 : f32 to vector<16xf32>
          %mul3A_427 = arith.mulf %mul3A_405, %mul3A_426 : vector<16xf32>
          %add3A_428 = arith.constant 2.42531369E-5 : f32
          %add3A_429 = vector.broadcast %add3A_428 : f32 to vector<16xf32>
          %add3A_430 = arith.addf %add3A_429, %mul3A_427 : vector<16xf32>
          %mul3A_431 = arith.mulf %mul3A_405, %add3A_430 : vector<16xf32>
          %add3A_432 = arith.constant -0.00138627435 : f32
          %add3A_433 = vector.broadcast %add3A_432 : f32 to vector<16xf32>
          %add3A_434 = arith.addf %add3A_433, %mul3A_431 : vector<16xf32>
          %mul3A_435 = arith.mulf %mul3A_405, %add3A_434 : vector<16xf32>
          %add3A_436 = arith.constant 0.0416610315 : f32
          %add3A_437 = vector.broadcast %add3A_436 : f32 to vector<16xf32>
          %add3A_438 = arith.addf %add3A_437, %mul3A_435 : vector<16xf32>
          %mul3A_439 = arith.mulf %mul3A_405, %add3A_438 : vector<16xf32>
          %add3A_440 = arith.constant -0.499995589 : f32
          %add3A_441 = vector.broadcast %add3A_440 : f32 to vector<16xf32>
          %add3A_442 = arith.addf %add3A_441, %mul3A_439 : vector<16xf32>
          %mul3A_443 = arith.mulf %mul3A_405, %add3A_442 : vector<16xf32>
          %add3A_444 = arith.constant 0.999999463 : f32
          %add3A_445 = vector.broadcast %add3A_444 : f32 to vector<16xf32>
          %add3A_446 = arith.addf %add3A_445, %mul3A_443 : vector<16xf32>
          %mul3A_447 = arith.constant 4.000000e-01 : f32
          %mul3A_448 = vector.broadcast %mul3A_447 : f32 to vector<16xf32>
          %mul3A_449 = arith.mulf %mul3A_448, %mul3A_388 : vector<16xf32>
          %mul3A_450 = arith.constant 2.000000e+00 : f32
          %mul3A_451 = vector.broadcast %mul3A_450 : f32 to vector<16xf32>
          %mul3A_452 = arith.mulf %mul3A_451, %add3A_446 : vector<16xf32>
          %broadcast_in_dim3A_453 = arith.constant 0.000000e+00 : f32
          %broadcast_in_dim3A_454 = vector.broadcast %broadcast_in_dim3A_453 : f32 to vector<16xf32>
          %mul3A_455 = arith.mulf %mul3A_424, %mul3A_449 : vector<16xf32>
          %mul3A_456 = arith.mulf %mul3A_452, %mul3A_424 : vector<16xf32>
          %sub3A_457 = arith.subf %mul3A_456, %broadcast_in_dim3A_454 : vector<16xf32>
          %mul3A_458 = arith.mulf %sub3A_457, %mul3A_449 : vector<16xf32>
          %mul3A_459 = arith.mulf %mul3A_452, %sub3A_457 : vector<16xf32>
          %sub3A_460 = arith.subf %mul3A_459, %mul3A_424 : vector<16xf32>
          %mul3A_461 = arith.mulf %sub3A_460, %mul3A_449 : vector<16xf32>
          %mul3A_462 = arith.mulf %mul3A_452, %sub3A_460 : vector<16xf32>
          %sub3A_463 = arith.subf %mul3A_462, %sub3A_457 : vector<16xf32>
          %mul3A_464 = arith.mulf %sub3A_463, %mul3A_449 : vector<16xf32>
          %mul3A_465 = arith.mulf %mul3A_452, %sub3A_463 : vector<16xf32>
          %sub3A_466 = arith.subf %mul3A_465, %sub3A_460 : vector<16xf32>
          %mul3A_467 = arith.mulf %sub3A_466, %mul3A_449 : vector<16xf32>
          %mul3A_468 = arith.mulf %mul3A_452, %sub3A_466 : vector<16xf32>
          %sub3A_469 = arith.subf %mul3A_468, %sub3A_463 : vector<16xf32>
          %mul3A_470 = arith.mulf %sub3A_469, %mul3A_449 : vector<16xf32>
          %mul3A_471 = arith.mulf %mul3A_452, %sub3A_469 : vector<16xf32>
          %sub3A_472 = arith.subf %mul3A_471, %sub3A_466 : vector<16xf32>
          %mul3A_473 = arith.mulf %sub3A_472, %mul3A_449 : vector<16xf32>
          %mul3A_474 = arith.mulf %mul3A_452, %sub3A_472 : vector<16xf32>
          %sub3A_475 = arith.subf %mul3A_474, %sub3A_469 : vector<16xf32>
          %mul3A_476 = arith.mulf %sub3A_475, %mul3A_449 : vector<16xf32>
          %mul3A_477 = arith.mulf %mul3A_452, %sub3A_475 : vector<16xf32>
          %sub3A_478 = arith.subf %mul3A_477, %sub3A_472 : vector<16xf32>
          %mul3A_479 = arith.mulf %mul3A_455, %gather3A : vector<16xf32>
          %mul3A_480 = arith.mulf %mul3A_458, %gather3A_25 : vector<16xf32>
          %add3A_481 = arith.addf %mul3A_479, %mul3A_480 : vector<16xf32>
          %mul3A_482 = arith.mulf %mul3A_461, %gather3A_49 : vector<16xf32>
          %add3A_483 = arith.addf %add3A_481, %mul3A_482 : vector<16xf32>
          %mul3A_484 = arith.mulf %mul3A_464, %gather3A_73 : vector<16xf32>
          %add3A_485 = arith.addf %add3A_483, %mul3A_484 : vector<16xf32>
          %mul3A_486 = arith.mulf %mul3A_467, %gather3A_97 : vector<16xf32>
          %add3A_487 = arith.addf %add3A_485, %mul3A_486 : vector<16xf32>
          %mul3A_488 = arith.mulf %mul3A_470, %gather3A_121 : vector<16xf32>
          %add3A_489 = arith.addf %add3A_487, %mul3A_488 : vector<16xf32>
          %mul3A_490 = arith.mulf %mul3A_473, %gather3A_145 : vector<16xf32>
          %add3A_491 = arith.addf %add3A_489, %mul3A_490 : vector<16xf32>
          %mul3A_492 = arith.mulf %mul3A_476, %gather3A_169 : vector<16xf32>
          %add3A_493 = arith.addf %add3A_491, %mul3A_492 : vector<16xf32>
          %broadcast_in_dim3A_494 = arith.constant 0 : i32
          %broadcast_in_dim3A_495 = vector.broadcast %broadcast_in_dim3A_494 : i32 to vector<16xi32>
          tpu.vector_store_idx %arg16[%add3A_311, %broadcast_in_dim3A_495], %add3A_493 : memref<400x17xf32, #tpu.memory_space<vmem>>[vector<16xi32>, vector<16xi32>], vector<16xf32>,
          %mul3A_496 = arith.mulf %mul3A_455, %gather3A_4 : vector<16xf32>
          %mul3A_497 = arith.mulf %mul3A_458, %gather3A_28 : vector<16xf32>
          %add3A_498 = arith.addf %mul3A_496, %mul3A_497 : vector<16xf32>
          %mul3A_499 = arith.mulf %mul3A_461, %gather3A_52 : vector<16xf32>
          %add3A_500 = arith.addf %add3A_498, %mul3A_499 : vector<16xf32>
          %mul3A_501 = arith.mulf %mul3A_464, %gather3A_76 : vector<16xf32>
          %add3A_502 = arith.addf %add3A_500, %mul3A_501 : vector<16xf32>
          %mul3A_503 = arith.mulf %mul3A_467, %gather3A_100 : vector<16xf32>
          %add3A_504 = arith.addf %add3A_502, %mul3A_503 : vector<16xf32>
          %mul3A_505 = arith.mulf %mul3A_470, %gather3A_124 : vector<16xf32>
          %add3A_506 = arith.addf %add3A_504, %mul3A_505 : vector<16xf32>
          %mul3A_507 = arith.mulf %mul3A_473, %gather3A_148 : vector<16xf32>
          %add3A_508 = arith.addf %add3A_506, %mul3A_507 : vector<16xf32>
          %mul3A_509 = arith.mulf %mul3A_476, %gather3A_172 : vector<16xf32>
          %add3A_510 = arith.addf %add3A_508, %mul3A_509 : vector<16xf32>
          %broadcast_in_dim3A_511 = arith.constant 1 : i32
          %broadcast_in_dim3A_512 = vector.broadcast %broadcast_in_dim3A_511 : i32 to vector<16xi32>
          tpu.vector_store_idx %arg16[%add3A_311, %broadcast_in_dim3A_512], %add3A_510 : memref<400x17xf32, #tpu.memory_space<vmem>>[vector<16xi32>, vector<16xi32>], vector<16xf32>,
          %mul3A_513 = arith.mulf %mul3A_455, %gather3A_7 : vector<16xf32>
          %mul3A_514 = arith.mulf %mul3A_458, %gather3A_31 : vector<16xf32>
          %add3A_515 = arith.addf %mul3A_513, %mul3A_514 : vector<16xf32>
          %mul3A_516 = arith.mulf %mul3A_461, %gather3A_55 : vector<16xf32>
          %add3A_517 = arith.addf %add3A_515, %mul3A_516 : vector<16xf32>
          %mul3A_518 = arith.mulf %mul3A_464, %gather3A_79 : vector<16xf32>
          %add3A_519 = arith.addf %add3A_517, %mul3A_518 : vector<16xf32>
          %mul3A_520 = arith.mulf %mul3A_467, %gather3A_103 : vector<16xf32>
          %add3A_521 = arith.addf %add3A_519, %mul3A_520 : vector<16xf32>
          %mul3A_522 = arith.mulf %mul3A_470, %gather3A_127 : vector<16xf32>
          %add3A_523 = arith.addf %add3A_521, %mul3A_522 : vector<16xf32>
          %mul3A_524 = arith.mulf %mul3A_473, %gather3A_151 : vector<16xf32>
          %add3A_525 = arith.addf %add3A_523, %mul3A_524 : vector<16xf32>
          %mul3A_526 = arith.mulf %mul3A_476, %gather3A_175 : vector<16xf32>
          %add3A_527 = arith.addf %add3A_525, %mul3A_526 : vector<16xf32>
          %broadcast_in_dim3A_528 = arith.constant 2 : i32
          %broadcast_in_dim3A_529 = vector.broadcast %broadcast_in_dim3A_528 : i32 to vector<16xi32>
          tpu.vector_store_idx %arg16[%add3A_311, %broadcast_in_dim3A_529], %add3A_527 : memref<400x17xf32, #tpu.memory_space<vmem>>[vector<16xi32>, vector<16xi32>], vector<16xf32>,
          %mul3A_530 = arith.mulf %mul3A_455, %gather3A_10 : vector<16xf32>
          %mul3A_531 = arith.mulf %mul3A_458, %gather3A_34 : vector<16xf32>
          %add3A_532 = arith.addf %mul3A_530, %mul3A_531 : vector<16xf32>
          %mul3A_533 = arith.mulf %mul3A_461, %gather3A_58 : vector<16xf32>
          %add3A_534 = arith.addf %add3A_532, %mul3A_533 : vector<16xf32>
          %mul3A_535 = arith.mulf %mul3A_464, %gather3A_82 : vector<16xf32>
          %add3A_536 = arith.addf %add3A_534, %mul3A_535 : vector<16xf32>
          %mul3A_537 = arith.mulf %mul3A_467, %gather3A_106 : vector<16xf32>
          %add3A_538 = arith.addf %add3A_536, %mul3A_537 : vector<16xf32>
          %mul3A_539 = arith.mulf %mul3A_470, %gather3A_130 : vector<16xf32>
          %add3A_540 = arith.addf %add3A_538, %mul3A_539 : vector<16xf32>
          %mul3A_541 = arith.mulf %mul3A_473, %gather3A_154 : vector<16xf32>
          %add3A_542 = arith.addf %add3A_540, %mul3A_541 : vector<16xf32>
          %mul3A_543 = arith.mulf %mul3A_476, %gather3A_178 : vector<16xf32>
          %add3A_544 = arith.addf %add3A_542, %mul3A_543 : vector<16xf32>
          %broadcast_in_dim3A_545 = arith.constant 3 : i32
          %broadcast_in_dim3A_546 = vector.broadcast %broadcast_in_dim3A_545 : i32 to vector<16xi32>
          tpu.vector_store_idx %arg16[%add3A_311, %broadcast_in_dim3A_546], %add3A_544 : memref<400x17xf32, #tpu.memory_space<vmem>>[vector<16xi32>, vector<16xi32>], vector<16xf32>,
          %mul3A_547 = arith.mulf %mul3A_455, %gather3A_13 : vector<16xf32>
          %mul3A_548 = arith.mulf %mul3A_458, %gather3A_37 : vector<16xf32>
          %add3A_549 = arith.addf %mul3A_547, %mul3A_548 : vector<16xf32>
          %mul3A_550 = arith.mulf %mul3A_461, %gather3A_61 : vector<16xf32>
          %add3A_551 = arith.addf %add3A_549, %mul3A_550 : vector<16xf32>
          %mul3A_552 = arith.mulf %mul3A_464, %gather3A_85 : vector<16xf32>
          %add3A_553 = arith.addf %add3A_551, %mul3A_552 : vector<16xf32>
          %mul3A_554 = arith.mulf %mul3A_467, %gather3A_109 : vector<16xf32>
          %add3A_555 = arith.addf %add3A_553, %mul3A_554 : vector<16xf32>
          %mul3A_556 = arith.mulf %mul3A_470, %gather3A_133 : vector<16xf32>
          %add3A_557 = arith.addf %add3A_555, %mul3A_556 : vector<16xf32>
          %mul3A_558 = arith.mulf %mul3A_473, %gather3A_157 : vector<16xf32>
          %add3A_559 = arith.addf %add3A_557, %mul3A_558 : vector<16xf32>
          %mul3A_560 = arith.mulf %mul3A_476, %gather3A_181 : vector<16xf32>
          %add3A_561 = arith.addf %add3A_559, %mul3A_560 : vector<16xf32>
          %broadcast_in_dim3A_562 = arith.constant 4 : i32
          %broadcast_in_dim3A_563 = vector.broadcast %broadcast_in_dim3A_562 : i32 to vector<16xi32>
          tpu.vector_store_idx %arg16[%add3A_311, %broadcast_in_dim3A_563], %add3A_561 : memref<400x17xf32, #tpu.memory_space<vmem>>[vector<16xi32>, vector<16xi32>], vector<16xf32>,
          %mul3A_564 = arith.mulf %mul3A_455, %gather3A_16 : vector<16xf32>
          %mul3A_565 = arith.mulf %mul3A_458, %gather3A_40 : vector<16xf32>
          %add3A_566 = arith.addf %mul3A_564, %mul3A_565 : vector<16xf32>
          %mul3A_567 = arith.mulf %mul3A_461, %gather3A_64 : vector<16xf32>
          %add3A_568 = arith.addf %add3A_566, %mul3A_567 : vector<16xf32>
          %mul3A_569 = arith.mulf %mul3A_464, %gather3A_88 : vector<16xf32>
          %add3A_570 = arith.addf %add3A_568, %mul3A_569 : vector<16xf32>
          %mul3A_571 = arith.mulf %mul3A_467, %gather3A_112 : vector<16xf32>
          %add3A_572 = arith.addf %add3A_570, %mul3A_571 : vector<16xf32>
          %mul3A_573 = arith.mulf %mul3A_470, %gather3A_136 : vector<16xf32>
          %add3A_574 = arith.addf %add3A_572, %mul3A_573 : vector<16xf32>
          %mul3A_575 = arith.mulf %mul3A_473, %gather3A_160 : vector<16xf32>
          %add3A_576 = arith.addf %add3A_574, %mul3A_575 : vector<16xf32>
          %mul3A_577 = arith.mulf %mul3A_476, %gather3A_184 : vector<16xf32>
          %add3A_578 = arith.addf %add3A_576, %mul3A_577 : vector<16xf32>
          %broadcast_in_dim3A_579 = arith.constant 5 : i32
          %broadcast_in_dim3A_580 = vector.broadcast %broadcast_in_dim3A_579 : i32 to vector<16xi32>
          tpu.vector_store_idx %arg16[%add3A_311, %broadcast_in_dim3A_580], %add3A_578 : memref<400x17xf32, #tpu.memory_space<vmem>>[vector<16xi32>, vector<16xi32>], vector<16xf32>,
          %mul3A_581 = arith.mulf %mul3A_455, %gather3A_19 : vector<16xf32>
          %mul3A_582 = arith.mulf %mul3A_458, %gather3A_43 : vector<16xf32>
          %add3A_583 = arith.addf %mul3A_581, %mul3A_582 : vector<16xf32>
          %mul3A_584 = arith.mulf %mul3A_461, %gather3A_67 : vector<16xf32>
          %add3A_585 = arith.addf %add3A_583, %mul3A_584 : vector<16xf32>
          %mul3A_586 = arith.mulf %mul3A_464, %gather3A_91 : vector<16xf32>
          %add3A_587 = arith.addf %add3A_585, %mul3A_586 : vector<16xf32>
          %mul3A_588 = arith.mulf %mul3A_467, %gather3A_115 : vector<16xf32>
          %add3A_589 = arith.addf %add3A_587, %mul3A_588 : vector<16xf32>
          %mul3A_590 = arith.mulf %mul3A_470, %gather3A_139 : vector<16xf32>
          %add3A_591 = arith.addf %add3A_589, %mul3A_590 : vector<16xf32>
          %mul3A_592 = arith.mulf %mul3A_473, %gather3A_163 : vector<16xf32>
          %add3A_593 = arith.addf %add3A_591, %mul3A_592 : vector<16xf32>
          %mul3A_594 = arith.mulf %mul3A_476, %gather3A_187 : vector<16xf32>
          %add3A_595 = arith.addf %add3A_593, %mul3A_594 : vector<16xf32>
          %broadcast_in_dim3A_596 = arith.constant 6 : i32
          %broadcast_in_dim3A_597 = vector.broadcast %broadcast_in_dim3A_596 : i32 to vector<16xi32>
          tpu.vector_store_idx %arg16[%add3A_311, %broadcast_in_dim3A_597], %add3A_595 : memref<400x17xf32, #tpu.memory_space<vmem>>[vector<16xi32>, vector<16xi32>], vector<16xf32>,
          %mul3A_598 = arith.mulf %mul3A_455, %gather3A_22 : vector<16xf32>
          %mul3A_599 = arith.mulf %mul3A_458, %gather3A_46 : vector<16xf32>
          %add3A_600 = arith.addf %mul3A_598, %mul3A_599 : vector<16xf32>
          %mul3A_601 = arith.mulf %mul3A_461, %gather3A_70 : vector<16xf32>
          %add3A_602 = arith.addf %add3A_600, %mul3A_601 : vector<16xf32>
          %mul3A_603 = arith.mulf %mul3A_464, %gather3A_94 : vector<16xf32>
          %add3A_604 = arith.addf %add3A_602, %mul3A_603 : vector<16xf32>
          %mul3A_605 = arith.mulf %mul3A_467, %gather3A_118 : vector<16xf32>
          %add3A_606 = arith.addf %add3A_604, %mul3A_605 : vector<16xf32>
          %mul3A_607 = arith.mulf %mul3A_470, %gather3A_142 : vector<16xf32>
          %add3A_608 = arith.addf %add3A_606, %mul3A_607 : vector<16xf32>
          %mul3A_609 = arith.mulf %mul3A_473, %gather3A_166 : vector<16xf32>
          %add3A_610 = arith.addf %add3A_608, %mul3A_609 : vector<16xf32>
          %mul3A_611 = arith.mulf %mul3A_476, %gather3A_190 : vector<16xf32>
          %add3A_612 = arith.addf %add3A_610, %mul3A_611 : vector<16xf32>
          %broadcast_in_dim3A_613 = arith.constant 7 : i32
          %broadcast_in_dim3A_614 = vector.broadcast %broadcast_in_dim3A_613 : i32 to vector<16xi32>
          tpu.vector_store_idx %arg16[%add3A_311, %broadcast_in_dim3A_614], %add3A_612 : memref<400x17xf32, #tpu.memory_space<vmem>>[vector<16xi32>, vector<16xi32>], vector<16xf32>,
        }
        %scan3A_296 = arith.constant 25 : i32
        %dma_start3A_297 = arith.constant 0 : i32
        %dma_start3A_298 = arith.constant 0 : i32
        %dma_start3A_299 = tpu.memref_slice %arg5[%dma_start3A_297, %dma_start3A_298] : memref<32x32xf32, #tpu.memory_space<hbm>> -> memref<32x32xf32, #tpu.memory_space<hbm>>
        tpu.enqueue_indirect_dma source(%dma_start3A_299 : memref<32x32xf32, #tpu.memory_space<hbm>>) target(%arg17 : memref<400x32xf32, #tpu.memory_space<vmem>>) offsets(%arg14 : memref<400xi32, #tpu.memory_space<vmem>>) semaphore(%arg21 : memref<!tpu.dma_semaphore, #tpu.memory_space<semaphore_mem>>)
        %dma_start3A_300 = arith.constant 0 : i32
        %dma_start3A_301 = arith.constant 0 : i32
        %dma_start3A_302 = tpu.memref_slice %arg6[%dma_start3A_300, %dma_start3A_301] : memref<32x32xf32, #tpu.memory_space<hbm>> -> memref<32x32xf32, #tpu.memory_space<hbm>>
        tpu.enqueue_indirect_dma source(%dma_start3A_302 : memref<32x32xf32, #tpu.memory_space<hbm>>) target(%arg18 : memref<400x32xf32, #tpu.memory_space<vmem>>) offsets(%arg15 : memref<400xi32, #tpu.memory_space<vmem>>) semaphore(%arg21 : memref<!tpu.dma_semaphore, #tpu.memory_space<semaphore_mem>>)
      } else {
      }
      %add3A_236 = arith.constant 32 : i32
      %add3A_237 = arith.addi %add3A_211, %add3A_236 : i32
      %lt3A_238 = arith.constant 2000 : i32
      %lt3A_239 = arith.cmpi slt, %add3A_237, %lt3A_238 : i32
      %convert_element_type3A_240 = arith.extui %lt3A_239 : i1 to i32
      %cond3A_241 = arith.constant 0 : i32
      %cond3A_242 = arith.cmpi ne, %convert_element_type3A_240, %cond3A_241 : i32
      scf.if %cond3A_242 {
        %add3A_287 = arith.constant 32 : i32
        %add3A_288 = arith.addi %add3A_211, %add3A_287 : i32
        %mul3A_289 = arith.constant 400 : i32
        %mul3A_290 = arith.muli %add3A_288, %mul3A_289 : i32
        %dma_start3A_291 = tpu.memref_slice %arg3[%mul3A_290] : memref<800000xi32, #tpu.memory_space<hbm>> -> memref<400xi32, #tpu.memory_space<hbm>>
        %dma_start3A_292 = tpu.memref_slice %arg3[%mul3A_290] : memref<800000xi32, #tpu.memory_space<hbm>> -> memref<400xi32, #tpu.memory_space<hbm>>
        tpu.enqueue_dma source(%dma_start3A_292 : memref<400xi32, #tpu.memory_space<hbm>>) target(%arg23 : memref<400xi32, #tpu.memory_space<vmem>>) target_semaphore(%arg32 : memref<!tpu.dma_semaphore, #tpu.memory_space<semaphore_mem>>)
        %dma_start3A_293 = tpu.memref_slice %arg4[%mul3A_290] : memref<800000xi32, #tpu.memory_space<hbm>> -> memref<400xi32, #tpu.memory_space<hbm>>
        %dma_start3A_294 = tpu.memref_slice %arg4[%mul3A_290] : memref<800000xi32, #tpu.memory_space<hbm>> -> memref<400xi32, #tpu.memory_space<hbm>>
        tpu.enqueue_dma source(%dma_start3A_294 : memref<400xi32, #tpu.memory_space<hbm>>) target(%arg24 : memref<400xi32, #tpu.memory_space<vmem>>) target_semaphore(%arg32 : memref<!tpu.dma_semaphore, #tpu.memory_space<semaphore_mem>>)
      } else {
      }
      %mul3A_243 = arith.constant 2 : i32
      %mul3A_244 = arith.muli %mul3A_243, %add3A_204 : i32
      %add3A_245 = arith.constant 1 : i32
      %add3A_246 = arith.addi %mul3A_244, %add3A_245 : i32
      %mul3A_247 = arith.constant 32 : i32
      %mul3A_248 = arith.muli %add3A_246, %mul3A_247 : i32
      %add3A_249 = arith.addi %add3A, %mul3A_248 : i32
      %sub3A_250 = arith.constant 32 : i32
      %sub3A_251 = arith.subi %add3A_249, %sub3A_250 : i32
      %sub3A_252 = arith.constant 64 : i32
      %sub3A_253 = arith.subi %add3A_249, %sub3A_252 : i32
      %lt3A_254 = arith.constant 2000 : i32
      %lt3A_255 = arith.cmpi slt, %add3A_249, %lt3A_254 : i32
      %convert_element_type3A_256 = arith.extui %lt3A_255 : i1 to i32
      %cond3A_257 = arith.constant 0 : i32
      %cond3A_258 = arith.cmpi ne, %convert_element_type3A_256, %cond3A_257 : i32
      scf.if %cond3A_258 {
        %mul3A_287 = arith.constant 400 : i32
        %mul3A_288 = arith.muli %add3A_249, %mul3A_287 : i32
        %dma_wait3A = tpu.memref_slice %arg3[%mul3A_288] : memref<800000xi32, #tpu.memory_space<hbm>> -> memref<400xi32, #tpu.memory_space<hbm>>
        %dma_wait3A_289 = tpu.memref_slice %arg3[%mul3A_288] : memref<800000xi32, #tpu.memory_space<hbm>> -> memref<400xi32, #tpu.memory_space<hbm>>
        tpu.wait_dma2 semaphore(%arg32 : memref<!tpu.dma_semaphore, #tpu.memory_space<semaphore_mem>>) src(%dma_wait3A_289 : memref<400xi32, #tpu.memory_space<hbm>>) dst(%arg23 : memref<400xi32, #tpu.memory_space<vmem>>)
        %dma_wait3A_290 = tpu.memref_slice %arg4[%mul3A_288] : memref<800000xi32, #tpu.memory_space<hbm>> -> memref<400xi32, #tpu.memory_space<hbm>>
        %dma_wait3A_291 = tpu.memref_slice %arg4[%mul3A_288] : memref<800000xi32, #tpu.memory_space<hbm>> -> memref<400xi32, #tpu.memory_space<hbm>>
        tpu.wait_dma2 semaphore(%arg32 : memref<!tpu.dma_semaphore, #tpu.memory_space<semaphore_mem>>) src(%dma_wait3A_291 : memref<400xi32, #tpu.memory_space<hbm>>) dst(%arg24 : memref<400xi32, #tpu.memory_space<vmem>>)
        %dma_start3A_292 = arith.constant 0 : i32
        %dma_start3A_293 = arith.constant 0 : i32
        %dma_start3A_294 = tpu.memref_slice %arg2[%dma_start3A_292, %dma_start3A_293] : memref<50000x16xf32, #tpu.memory_space<hbm>> -> memref<50000x16xf32, #tpu.memory_space<hbm>>
        tpu.enqueue_indirect_dma source(%dma_start3A_294 : memref<50000x16xf32, #tpu.memory_space<hbm>>) target(%arg25 : memref<400x16xf32, #tpu.memory_space<vmem>>) offsets(%arg23 : memref<400xi32, #tpu.memory_space<vmem>>) semaphore(%arg33 : memref<!tpu.dma_semaphore, #tpu.memory_space<semaphore_mem>>)
        %dma_start3A_295 = arith.constant 0 : i32
        %dma_start3A_296 = arith.constant 0 : i32
        %dma_start3A_297 = tpu.memref_slice %arg2[%dma_start3A_295, %dma_start3A_296] : memref<50000x16xf32, #tpu.memory_space<hbm>> -> memref<50000x16xf32, #tpu.memory_space<hbm>>
        tpu.enqueue_indirect_dma source(%dma_start3A_297 : memref<50000x16xf32, #tpu.memory_space<hbm>>) target(%arg26 : memref<400x16xf32, #tpu.memory_space<vmem>>) offsets(%arg24 : memref<400xi32, #tpu.memory_space<vmem>>) semaphore(%arg33 : memref<!tpu.dma_semaphore, #tpu.memory_space<semaphore_mem>>)
      } else {
      }
      %ge3A_259 = arith.constant 0 : i32
      %ge3A_260 = arith.cmpi sge, %sub3A_251, %ge3A_259 : i32
      %lt3A_261 = arith.constant 2000 : i32
      %lt3A_262 = arith.cmpi slt, %sub3A_251, %lt3A_261 : i32
      %and3A_263 = arith.andi %ge3A_260, %lt3A_262 : i1
      %convert_element_type3A_264 = arith.extui %and3A_263 : i1 to i32
      %cond3A_265 = arith.constant 0 : i32
      %cond3A_266 = arith.cmpi ne, %convert_element_type3A_264, %cond3A_265 : i32
      scf.if %cond3A_266 {
        %dma_wait3A = arith.constant 0 : i32
        %dma_wait3A_287 = arith.constant 0 : i32
        %dma_wait3A_288 = tpu.memref_slice %arg5[%dma_wait3A, %dma_wait3A_287] : memref<32x32xf32, #tpu.memory_space<hbm>> -> memref<32x32xf32, #tpu.memory_space<hbm>>
        tpu.wait_indirect_dma semaphore(%arg21 : memref<!tpu.dma_semaphore, #tpu.memory_space<semaphore_mem>>) src(%dma_wait3A_288 : memref<32x32xf32, #tpu.memory_space<hbm>>) dst(%arg17 : memref<400x32xf32, #tpu.memory_space<vmem>>)
        %dma_wait3A_289 = arith.constant 0 : i32
        %dma_wait3A_290 = arith.constant 0 : i32
        %dma_wait3A_291 = tpu.memref_slice %arg6[%dma_wait3A_289, %dma_wait3A_290] : memref<32x32xf32, #tpu.memory_space<hbm>> -> memref<32x32xf32, #tpu.memory_space<hbm>>
        tpu.wait_indirect_dma semaphore(%arg21 : memref<!tpu.dma_semaphore, #tpu.memory_space<semaphore_mem>>) src(%dma_wait3A_291 : memref<32x32xf32, #tpu.memory_space<hbm>>) dst(%arg18 : memref<400x32xf32, #tpu.memory_space<vmem>>)
        %mul3A_292 = arith.constant 400 : i32
        %mul3A_293 = arith.muli %sub3A_251, %mul3A_292 : i32
        %dma_start3A_294 = arith.constant 0 : i32
        %dma_start3A_295 = arith.constant 0 : i32
        %dma_start3A_296 = tpu.memref_slice %arg16[%dma_start3A_294, %dma_start3A_295] : memref<400x17xf32, #tpu.memory_space<vmem>> -> memref<400x16xf32, #tpu.memory_space<vmem>>
        %dma_start3A_297 = arith.constant 0 : i32
        %dma_start3A_298 = tpu.memref_slice %arg8[%mul3A_293, %dma_start3A_297] : memref<800000x72xf32, #tpu.memory_space<hbm>> -> memref<400x16xf32, #tpu.memory_space<hbm>>
        %dma_start3A_299 = arith.constant 0 : i32
        %dma_start3A_300 = tpu.memref_slice %arg8[%mul3A_293, %dma_start3A_299] : memref<800000x72xf32, #tpu.memory_space<hbm>> -> memref<400x16xf32, #tpu.memory_space<hbm>>
        %dma_start3A_301 = arith.constant 0 : i32
        %dma_start3A_302 = arith.constant 0 : i32
        %dma_start3A_303 = tpu.memref_slice %arg16[%dma_start3A_301, %dma_start3A_302] : memref<400x17xf32, #tpu.memory_space<vmem>> -> memref<400x16xf32, #tpu.memory_space<vmem>>
        tpu.enqueue_dma source(%dma_start3A_303 : memref<400x16xf32, #tpu.memory_space<vmem>>) target(%dma_start3A_300 : memref<400x16xf32, #tpu.memory_space<hbm>>) target_semaphore(%arg22 : memref<!tpu.dma_semaphore, #tpu.memory_space<semaphore_mem>>)
        %dma_start3A_304 = arith.constant 8 : i32
        %dma_start3A_305 = tpu.memref_slice %arg8[%mul3A_293, %dma_start3A_304] : memref<800000x72xf32, #tpu.memory_space<hbm>> -> memref<400x32xf32, #tpu.memory_space<hbm>>
        %dma_start3A_306 = arith.constant 8 : i32
        %dma_start3A_307 = tpu.memref_slice %arg8[%mul3A_293, %dma_start3A_306] : memref<800000x72xf32, #tpu.memory_space<hbm>> -> memref<400x32xf32, #tpu.memory_space<hbm>>
        tpu.enqueue_dma source(%arg17 : memref<400x32xf32, #tpu.memory_space<vmem>>) target(%dma_start3A_307 : memref<400x32xf32, #tpu.memory_space<hbm>>) target_semaphore(%arg22 : memref<!tpu.dma_semaphore, #tpu.memory_space<semaphore_mem>>)
        %dma_start3A_308 = arith.constant 40 : i32
        %dma_start3A_309 = tpu.memref_slice %arg8[%mul3A_293, %dma_start3A_308] : memref<800000x72xf32, #tpu.memory_space<hbm>> -> memref<400x32xf32, #tpu.memory_space<hbm>>
        %dma_start3A_310 = arith.constant 40 : i32
        %dma_start3A_311 = tpu.memref_slice %arg8[%mul3A_293, %dma_start3A_310] : memref<800000x72xf32, #tpu.memory_space<hbm>> -> memref<400x32xf32, #tpu.memory_space<hbm>>
        tpu.enqueue_dma source(%arg18 : memref<400x32xf32, #tpu.memory_space<vmem>>) target(%dma_start3A_311 : memref<400x32xf32, #tpu.memory_space<hbm>>) target_semaphore(%arg22 : memref<!tpu.dma_semaphore, #tpu.memory_space<semaphore_mem>>)
      } else {
      }
      %ge3A_267 = arith.constant 0 : i32
      %ge3A_268 = arith.cmpi sge, %sub3A_253, %ge3A_267 : i32
      %lt3A_269 = arith.constant 2000 : i32
      %lt3A_270 = arith.cmpi slt, %sub3A_253, %lt3A_269 : i32
      %and3A_271 = arith.andi %ge3A_268, %lt3A_270 : i1
      %convert_element_type3A_272 = arith.extui %and3A_271 : i1 to i32
      %cond3A_273 = arith.constant 0 : i32
      %cond3A_274 = arith.cmpi ne, %convert_element_type3A_272, %cond3A_273 : i32
      scf.if %cond3A_274 {
        %mul3A_287 = arith.constant 400 : i32
        %mul3A_288 = arith.muli %sub3A_253, %mul3A_287 : i32
        %dma_wait3A = arith.constant 0 : i32
        %dma_wait3A_289 = arith.constant 0 : i32
        %dma_wait3A_290 = tpu.memref_slice %arg29[%dma_wait3A, %dma_wait3A_289] : memref<400x17xf32, #tpu.memory_space<vmem>> -> memref<400x16xf32, #tpu.memory_space<vmem>>
        %dma_wait3A_291 = arith.constant 0 : i32
        %dma_wait3A_292 = tpu.memref_slice %arg8[%mul3A_288, %dma_wait3A_291] : memref<800000x72xf32, #tpu.memory_space<hbm>> -> memref<400x16xf32, #tpu.memory_space<hbm>>
        %dma_wait3A_293 = arith.constant 0 : i32
        %dma_wait3A_294 = tpu.memref_slice %arg8[%mul3A_288, %dma_wait3A_293] : memref<800000x72xf32, #tpu.memory_space<hbm>> -> memref<400x16xf32, #tpu.memory_space<hbm>>
        %dma_wait3A_295 = arith.constant 0 : i32
        %dma_wait3A_296 = arith.constant 0 : i32
        %dma_wait3A_297 = tpu.memref_slice %arg29[%dma_wait3A_295, %dma_wait3A_296] : memref<400x17xf32, #tpu.memory_space<vmem>> -> memref<400x16xf32, #tpu.memory_space<vmem>>
        tpu.wait_dma2 semaphore(%arg35 : memref<!tpu.dma_semaphore, #tpu.memory_space<semaphore_mem>>) src(%dma_wait3A_297 : memref<400x16xf32, #tpu.memory_space<vmem>>) dst(%dma_wait3A_294 : memref<400x16xf32, #tpu.memory_space<hbm>>)
        %dma_wait3A_298 = arith.constant 8 : i32
        %dma_wait3A_299 = tpu.memref_slice %arg8[%mul3A_288, %dma_wait3A_298] : memref<800000x72xf32, #tpu.memory_space<hbm>> -> memref<400x32xf32, #tpu.memory_space<hbm>>
        %dma_wait3A_300 = arith.constant 8 : i32
        %dma_wait3A_301 = tpu.memref_slice %arg8[%mul3A_288, %dma_wait3A_300] : memref<800000x72xf32, #tpu.memory_space<hbm>> -> memref<400x32xf32, #tpu.memory_space<hbm>>
        tpu.wait_dma2 semaphore(%arg35 : memref<!tpu.dma_semaphore, #tpu.memory_space<semaphore_mem>>) src(%arg30 : memref<400x32xf32, #tpu.memory_space<vmem>>) dst(%dma_wait3A_301 : memref<400x32xf32, #tpu.memory_space<hbm>>)
        %dma_wait3A_302 = arith.constant 40 : i32
        %dma_wait3A_303 = tpu.memref_slice %arg8[%mul3A_288, %dma_wait3A_302] : memref<800000x72xf32, #tpu.memory_space<hbm>> -> memref<400x32xf32, #tpu.memory_space<hbm>>
        %dma_wait3A_304 = arith.constant 40 : i32
        %dma_wait3A_305 = tpu.memref_slice %arg8[%mul3A_288, %dma_wait3A_304] : memref<800000x72xf32, #tpu.memory_space<hbm>> -> memref<400x32xf32, #tpu.memory_space<hbm>>
        tpu.wait_dma2 semaphore(%arg35 : memref<!tpu.dma_semaphore, #tpu.memory_space<semaphore_mem>>) src(%arg31 : memref<400x32xf32, #tpu.memory_space<vmem>>) dst(%dma_wait3A_305 : memref<400x32xf32, #tpu.memory_space<hbm>>)
      } else {
      }
      %lt3A_275 = arith.constant 2000 : i32
      %lt3A_276 = arith.cmpi slt, %add3A_249, %lt3A_275 : i32
      %convert_element_type3A_277 = arith.extui %lt3A_276 : i1 to i32
      %cond3A_278 = arith.constant 0 : i32
      %cond3A_279 = arith.cmpi ne, %convert_element_type3A_277, %cond3A_278 : i32
      scf.if %cond3A_279 {
        %dma_wait3A = arith.constant 0 : i32
        %dma_wait3A_287 = arith.constant 0 : i32
        %dma_wait3A_288 = tpu.memref_slice %arg2[%dma_wait3A, %dma_wait3A_287] : memref<50000x16xf32, #tpu.memory_space<hbm>> -> memref<50000x16xf32, #tpu.memory_space<hbm>>
        tpu.wait_indirect_dma semaphore(%arg33 : memref<!tpu.dma_semaphore, #tpu.memory_space<semaphore_mem>>) src(%dma_wait3A_288 : memref<50000x16xf32, #tpu.memory_space<hbm>>) dst(%arg25 : memref<400x16xf32, #tpu.memory_space<vmem>>)
        %dma_wait3A_289 = arith.constant 0 : i32
        %dma_wait3A_290 = arith.constant 0 : i32
        %dma_wait3A_291 = tpu.memref_slice %arg2[%dma_wait3A_289, %dma_wait3A_290] : memref<50000x16xf32, #tpu.memory_space<hbm>> -> memref<50000x16xf32, #tpu.memory_space<hbm>>
        tpu.wait_indirect_dma semaphore(%arg33 : memref<!tpu.dma_semaphore, #tpu.memory_space<semaphore_mem>>) src(%dma_wait3A_291 : memref<50000x16xf32, #tpu.memory_space<hbm>>) dst(%arg26 : memref<400x16xf32, #tpu.memory_space<vmem>>)
        %scan3A_292 = arith.constant 0 : i32
        %scan3A_293 = arith.constant 25 : i32
        %scan3A_294 = arith.addi %scan3A_292, %scan3A_293 : i32
        %scan3A_295 = arith.constant 1 : i32
        scf.for %scan3A_303 = %scan3A_292 to %scan3A_294 step %scan3A_295  : i32 {
          %mul3A_304 = arith.constant 1 : i32
          %mul3A_305 = arith.muli %scan3A_303, %mul3A_304 : i32
          %add3A_306 = arith.constant 0 : i32
          %add3A_307 = arith.addi %add3A_306, %mul3A_305 : i32
          %mul3A_308 = arith.constant 16 : i32
          %mul3A_309 = arith.muli %add3A_307, %mul3A_308 : i32
          %add3A_310 = vector.broadcast %mul3A_309 : i32 to vector<16xi32>
          %add3A_311 = arith.addi %add3A_310, %iota3A : vector<16xi32>
          %broadcast_in_dim3A_312 = arith.constant 0 : i32
          %broadcast_in_dim3A_313 = vector.broadcast %broadcast_in_dim3A_312 : i32 to vector<16xi32>
          %gather3A_314 = tpu.vector_load_idx %arg25[%add3A_311, %broadcast_in_dim3A_313] : memref<400x16xf32, #tpu.memory_space<vmem>>[vector<16xi32>, vector<16xi32>], vector<16xf32>,
          %broadcast_in_dim3A_315 = arith.constant 1 : i32
          %broadcast_in_dim3A_316 = vector.broadcast %broadcast_in_dim3A_315 : i32 to vector<16xi32>
          %gather3A_317 = tpu.vector_load_idx %arg25[%add3A_311, %broadcast_in_dim3A_316] : memref<400x16xf32, #tpu.memory_space<vmem>>[vector<16xi32>, vector<16xi32>], vector<16xf32>,
          %broadcast_in_dim3A_318 = arith.constant 2 : i32
          %broadcast_in_dim3A_319 = vector.broadcast %broadcast_in_dim3A_318 : i32 to vector<16xi32>
          %gather3A_320 = tpu.vector_load_idx %arg25[%add3A_311, %broadcast_in_dim3A_319] : memref<400x16xf32, #tpu.memory_space<vmem>>[vector<16xi32>, vector<16xi32>], vector<16xf32>,
          %broadcast_in_dim3A_321 = arith.constant 3 : i32
          %broadcast_in_dim3A_322 = vector.broadcast %broadcast_in_dim3A_321 : i32 to vector<16xi32>
          %gather3A_323 = tpu.vector_load_idx %arg25[%add3A_311, %broadcast_in_dim3A_322] : memref<400x16xf32, #tpu.memory_space<vmem>>[vector<16xi32>, vector<16xi32>], vector<16xf32>,
          %convert_element_type3A_324 = arith.fptosi %gather3A_323 : vector<16xf32> to vector<16xi32>
          %broadcast_in_dim3A_325 = arith.constant 0 : i32
          %broadcast_in_dim3A_326 = vector.broadcast %broadcast_in_dim3A_325 : i32 to vector<16xi32>
          %gather3A_327 = tpu.vector_load_idx %arg26[%add3A_311, %broadcast_in_dim3A_326] : memref<400x16xf32, #tpu.memory_space<vmem>>[vector<16xi32>, vector<16xi32>], vector<16xf32>,
          %broadcast_in_dim3A_328 = arith.constant 1 : i32
          %broadcast_in_dim3A_329 = vector.broadcast %broadcast_in_dim3A_328 : i32 to vector<16xi32>
          %gather3A_330 = tpu.vector_load_idx %arg26[%add3A_311, %broadcast_in_dim3A_329] : memref<400x16xf32, #tpu.memory_space<vmem>>[vector<16xi32>, vector<16xi32>], vector<16xf32>,
          %broadcast_in_dim3A_331 = arith.constant 2 : i32
          %broadcast_in_dim3A_332 = vector.broadcast %broadcast_in_dim3A_331 : i32 to vector<16xi32>
          %gather3A_333 = tpu.vector_load_idx %arg26[%add3A_311, %broadcast_in_dim3A_332] : memref<400x16xf32, #tpu.memory_space<vmem>>[vector<16xi32>, vector<16xi32>], vector<16xf32>,
          %broadcast_in_dim3A_334 = arith.constant 3 : i32
          %broadcast_in_dim3A_335 = vector.broadcast %broadcast_in_dim3A_334 : i32 to vector<16xi32>
          %gather3A_336 = tpu.vector_load_idx %arg26[%add3A_311, %broadcast_in_dim3A_335] : memref<400x16xf32, #tpu.memory_space<vmem>>[vector<16xi32>, vector<16xi32>], vector<16xf32>,
          %convert_element_type3A_337 = arith.fptosi %gather3A_336 : vector<16xf32> to vector<16xi32>
          %mul3A_338 = arith.constant 16 : i32
          %mul3A_339 = arith.muli %add3A_307, %mul3A_338 : i32
          %swap3A = arith.index_cast %mul3A_339 : i32 to index
          %swap3A_340 = tpu.vector_load %arg27[%swap3A] {strides = array<i32>} : memref<400xi32, #tpu.memory_space<vmem>>, vector<16xi32>,
          tpu.vector_store %arg27[%swap3A], %convert_element_type3A_324 {strides = array<i32>} : memref<400xi32, #tpu.memory_space<vmem>>, vector<16xi32>,
          %mul3A_341 = arith.constant 16 : i32
          %mul3A_342 = arith.muli %add3A_307, %mul3A_341 : i32
          %swap3A_343 = arith.index_cast %mul3A_342 : i32 to index
          %swap3A_344 = tpu.vector_load %arg28[%swap3A_343] {strides = array<i32>} : memref<400xi32, #tpu.memory_space<vmem>>, vector<16xi32>,
          tpu.vector_store %arg28[%swap3A_343], %convert_element_type3A_337 {strides = array<i32>} : memref<400xi32, #tpu.memory_space<vmem>>, vector<16xi32>,
          %sub3A_345 = arith.subf %gather3A_327, %gather3A_314 : vector<16xf32>
          %sub3A_346 = arith.subf %gather3A_330, %gather3A_317 : vector<16xf32>
          %sub3A_347 = arith.subf %gather3A_333, %gather3A_320 : vector<16xf32>
          %mul3A_348 = arith.mulf %sub3A_345, %sub3A_345 : vector<16xf32>
          %mul3A_349 = arith.mulf %sub3A_346, %sub3A_346 : vector<16xf32>
          %add3A_350 = arith.addf %mul3A_348, %mul3A_349 : vector<16xf32>
          %mul3A_351 = arith.mulf %sub3A_347, %sub3A_347 : vector<16xf32>
          %add3A_352 = arith.addf %add3A_350, %mul3A_351 : vector<16xf32>
          %add3A_353 = arith.constant 9.99999996E-13 : f32
          %add3A_354 = vector.broadcast %add3A_353 : f32 to vector<16xf32>
          %add3A_355 = arith.addf %add3A_352, %add3A_354 : vector<16xf32>
          %bitcast3A = vector.bitcast %add3A_355 : vector<16xf32> to vector<16xi32>
          %shift_right_arithmetic3A = arith.constant 1 : i32
          %shift_right_arithmetic3A_356 = vector.broadcast %shift_right_arithmetic3A : i32 to vector<16xi32>
          %shift_right_arithmetic3A_357 = arith.shrsi %bitcast3A, %shift_right_arithmetic3A_356 : vector<16xi32>
          %sub3A_358 = arith.constant 1597463007 : i32
          %sub3A_359 = vector.broadcast %sub3A_358 : i32 to vector<16xi32>
          %sub3A_360 = arith.subi %sub3A_359, %shift_right_arithmetic3A_357 : vector<16xi32>
          %bitcast3A_361 = vector.bitcast %sub3A_360 : vector<16xi32> to vector<16xf32>
          %mul3A_362 = arith.constant 5.000000e-01 : f32
          %mul3A_363 = vector.broadcast %mul3A_362 : f32 to vector<16xf32>
          %mul3A_364 = arith.mulf %mul3A_363, %add3A_355 : vector<16xf32>
          %mul3A_365 = arith.mulf %mul3A_364, %bitcast3A_361 : vector<16xf32>
          %mul3A_366 = arith.mulf %mul3A_365, %bitcast3A_361 : vector<16xf32>
          %sub3A_367 = arith.constant 1.500000e+00 : f32
          %sub3A_368 = vector.broadcast %sub3A_367 : f32 to vector<16xf32>
          %sub3A_369 = arith.subf %sub3A_368, %mul3A_366 : vector<16xf32>
          %mul3A_370 = arith.mulf %bitcast3A_361, %sub3A_369 : vector<16xf32>
          %mul3A_371 = arith.constant 5.000000e-01 : f32
          %mul3A_372 = vector.broadcast %mul3A_371 : f32 to vector<16xf32>
          %mul3A_373 = arith.mulf %mul3A_372, %add3A_355 : vector<16xf32>
          %mul3A_374 = arith.mulf %mul3A_373, %mul3A_370 : vector<16xf32>
          %mul3A_375 = arith.mulf %mul3A_374, %mul3A_370 : vector<16xf32>
          %sub3A_376 = arith.constant 1.500000e+00 : f32
          %sub3A_377 = vector.broadcast %sub3A_376 : f32 to vector<16xf32>
          %sub3A_378 = arith.subf %sub3A_377, %mul3A_375 : vector<16xf32>
          %mul3A_379 = arith.mulf %mul3A_370, %sub3A_378 : vector<16xf32>
          %mul3A_380 = arith.constant 5.000000e-01 : f32
          %mul3A_381 = vector.broadcast %mul3A_380 : f32 to vector<16xf32>
          %mul3A_382 = arith.mulf %mul3A_381, %add3A_355 : vector<16xf32>
          %mul3A_383 = arith.mulf %mul3A_382, %mul3A_379 : vector<16xf32>
          %mul3A_384 = arith.mulf %mul3A_383, %mul3A_379 : vector<16xf32>
          %sub3A_385 = arith.constant 1.500000e+00 : f32
          %sub3A_386 = vector.broadcast %sub3A_385 : f32 to vector<16xf32>
          %sub3A_387 = arith.subf %sub3A_386, %mul3A_384 : vector<16xf32>
          %mul3A_388 = arith.mulf %mul3A_379, %sub3A_387 : vector<16xf32>
          %mul3A_389 = arith.mulf %add3A_355, %mul3A_388 : vector<16xf32>
          %mul3A_390 = arith.constant 0.628318548 : f32
          %mul3A_391 = vector.broadcast %mul3A_390 : f32 to vector<16xf32>
          %mul3A_392 = arith.mulf %mul3A_389, %mul3A_391 : vector<16xf32>
          %mul3A_393 = arith.constant 0.159154937 : f32
          %mul3A_394 = vector.broadcast %mul3A_393 : f32 to vector<16xf32>
          %mul3A_395 = arith.mulf %mul3A_392, %mul3A_394 : vector<16xf32>
          %add3A_396 = arith.constant 5.000000e-01 : f32
          %add3A_397 = vector.broadcast %add3A_396 : f32 to vector<16xf32>
          %add3A_398 = arith.addf %mul3A_395, %add3A_397 : vector<16xf32>
          %convert_element_type3A_399 = arith.fptosi %add3A_398 : vector<16xf32> to vector<16xi32>
          %convert_element_type3A_400 = arith.sitofp %convert_element_type3A_399 : vector<16xi32> to vector<16xf32>
          %mul3A_401 = arith.constant 6.28318548 : f32
          %mul3A_402 = vector.broadcast %mul3A_401 : f32 to vector<16xf32>
          %mul3A_403 = arith.mulf %convert_element_type3A_400, %mul3A_402 : vector<16xf32>
          %sub3A_404 = arith.subf %mul3A_392, %mul3A_403 : vector<16xf32>
          %mul3A_405 = arith.mulf %sub3A_404, %sub3A_404 : vector<16xf32>
          %mul3A_406 = arith.constant 2.173210e-06 : f32
          %mul3A_407 = vector.broadcast %mul3A_406 : f32 to vector<16xf32>
          %mul3A_408 = arith.mulf %mul3A_405, %mul3A_407 : vector<16xf32>
          %add3A_409 = arith.constant -1.93161817E-4 : f32
          %add3A_410 = vector.broadcast %add3A_409 : f32 to vector<16xf32>
          %add3A_411 = arith.addf %add3A_410, %mul3A_408 : vector<16xf32>
          %mul3A_412 = arith.mulf %mul3A_405, %add3A_411 : vector<16xf32>
          %add3A_413 = arith.constant 0.00831238274 : f32
          %add3A_414 = vector.broadcast %add3A_413 : f32 to vector<16xf32>
          %add3A_415 = arith.addf %add3A_414, %mul3A_412 : vector<16xf32>
          %mul3A_416 = arith.mulf %mul3A_405, %add3A_415 : vector<16xf32>
          %add3A_417 = arith.constant -0.166632578 : f32
          %add3A_418 = vector.broadcast %add3A_417 : f32 to vector<16xf32>
          %add3A_419 = arith.addf %add3A_418, %mul3A_416 : vector<16xf32>
          %mul3A_420 = arith.mulf %mul3A_405, %add3A_419 : vector<16xf32>
          %add3A_421 = arith.constant 0.999984562 : f32
          %add3A_422 = vector.broadcast %add3A_421 : f32 to vector<16xf32>
          %add3A_423 = arith.addf %add3A_422, %mul3A_420 : vector<16xf32>
          %mul3A_424 = arith.mulf %sub3A_404, %add3A_423 : vector<16xf32>
          %mul3A_425 = arith.constant -2.21936943E-7 : f32
          %mul3A_426 = vector.broadcast %mul3A_425 : f32 to vector<16xf32>
          %mul3A_427 = arith.mulf %mul3A_405, %mul3A_426 : vector<16xf32>
          %add3A_428 = arith.constant 2.42531369E-5 : f32
          %add3A_429 = vector.broadcast %add3A_428 : f32 to vector<16xf32>
          %add3A_430 = arith.addf %add3A_429, %mul3A_427 : vector<16xf32>
          %mul3A_431 = arith.mulf %mul3A_405, %add3A_430 : vector<16xf32>
          %add3A_432 = arith.constant -0.00138627435 : f32
          %add3A_433 = vector.broadcast %add3A_432 : f32 to vector<16xf32>
          %add3A_434 = arith.addf %add3A_433, %mul3A_431 : vector<16xf32>
          %mul3A_435 = arith.mulf %mul3A_405, %add3A_434 : vector<16xf32>
          %add3A_436 = arith.constant 0.0416610315 : f32
          %add3A_437 = vector.broadcast %add3A_436 : f32 to vector<16xf32>
          %add3A_438 = arith.addf %add3A_437, %mul3A_435 : vector<16xf32>
          %mul3A_439 = arith.mulf %mul3A_405, %add3A_438 : vector<16xf32>
          %add3A_440 = arith.constant -0.499995589 : f32
          %add3A_441 = vector.broadcast %add3A_440 : f32 to vector<16xf32>
          %add3A_442 = arith.addf %add3A_441, %mul3A_439 : vector<16xf32>
          %mul3A_443 = arith.mulf %mul3A_405, %add3A_442 : vector<16xf32>
          %add3A_444 = arith.constant 0.999999463 : f32
          %add3A_445 = vector.broadcast %add3A_444 : f32 to vector<16xf32>
          %add3A_446 = arith.addf %add3A_445, %mul3A_443 : vector<16xf32>
          %mul3A_447 = arith.constant 4.000000e-01 : f32
          %mul3A_448 = vector.broadcast %mul3A_447 : f32 to vector<16xf32>
          %mul3A_449 = arith.mulf %mul3A_448, %mul3A_388 : vector<16xf32>
          %mul3A_450 = arith.constant 2.000000e+00 : f32
          %mul3A_451 = vector.broadcast %mul3A_450 : f32 to vector<16xf32>
          %mul3A_452 = arith.mulf %mul3A_451, %add3A_446 : vector<16xf32>
          %broadcast_in_dim3A_453 = arith.constant 0.000000e+00 : f32
          %broadcast_in_dim3A_454 = vector.broadcast %broadcast_in_dim3A_453 : f32 to vector<16xf32>
          %mul3A_455 = arith.mulf %mul3A_424, %mul3A_449 : vector<16xf32>
          %mul3A_456 = arith.mulf %mul3A_452, %mul3A_424 : vector<16xf32>
          %sub3A_457 = arith.subf %mul3A_456, %broadcast_in_dim3A_454 : vector<16xf32>
          %mul3A_458 = arith.mulf %sub3A_457, %mul3A_449 : vector<16xf32>
          %mul3A_459 = arith.mulf %mul3A_452, %sub3A_457 : vector<16xf32>
          %sub3A_460 = arith.subf %mul3A_459, %mul3A_424 : vector<16xf32>
          %mul3A_461 = arith.mulf %sub3A_460, %mul3A_449 : vector<16xf32>
          %mul3A_462 = arith.mulf %mul3A_452, %sub3A_460 : vector<16xf32>
          %sub3A_463 = arith.subf %mul3A_462, %sub3A_457 : vector<16xf32>
          %mul3A_464 = arith.mulf %sub3A_463, %mul3A_449 : vector<16xf32>
          %mul3A_465 = arith.mulf %mul3A_452, %sub3A_463 : vector<16xf32>
          %sub3A_466 = arith.subf %mul3A_465, %sub3A_460 : vector<16xf32>
          %mul3A_467 = arith.mulf %sub3A_466, %mul3A_449 : vector<16xf32>
          %mul3A_468 = arith.mulf %mul3A_452, %sub3A_466 : vector<16xf32>
          %sub3A_469 = arith.subf %mul3A_468, %sub3A_463 : vector<16xf32>
          %mul3A_470 = arith.mulf %sub3A_469, %mul3A_449 : vector<16xf32>
          %mul3A_471 = arith.mulf %mul3A_452, %sub3A_469 : vector<16xf32>
          %sub3A_472 = arith.subf %mul3A_471, %sub3A_466 : vector<16xf32>
          %mul3A_473 = arith.mulf %sub3A_472, %mul3A_449 : vector<16xf32>
          %mul3A_474 = arith.mulf %mul3A_452, %sub3A_472 : vector<16xf32>
          %sub3A_475 = arith.subf %mul3A_474, %sub3A_469 : vector<16xf32>
          %mul3A_476 = arith.mulf %sub3A_475, %mul3A_449 : vector<16xf32>
          %mul3A_477 = arith.mulf %mul3A_452, %sub3A_475 : vector<16xf32>
          %sub3A_478 = arith.subf %mul3A_477, %sub3A_472 : vector<16xf32>
          %mul3A_479 = arith.mulf %mul3A_455, %gather3A : vector<16xf32>
          %mul3A_480 = arith.mulf %mul3A_458, %gather3A_25 : vector<16xf32>
          %add3A_481 = arith.addf %mul3A_479, %mul3A_480 : vector<16xf32>
          %mul3A_482 = arith.mulf %mul3A_461, %gather3A_49 : vector<16xf32>
          %add3A_483 = arith.addf %add3A_481, %mul3A_482 : vector<16xf32>
          %mul3A_484 = arith.mulf %mul3A_464, %gather3A_73 : vector<16xf32>
          %add3A_485 = arith.addf %add3A_483, %mul3A_484 : vector<16xf32>
          %mul3A_486 = arith.mulf %mul3A_467, %gather3A_97 : vector<16xf32>
          %add3A_487 = arith.addf %add3A_485, %mul3A_486 : vector<16xf32>
          %mul3A_488 = arith.mulf %mul3A_470, %gather3A_121 : vector<16xf32>
          %add3A_489 = arith.addf %add3A_487, %mul3A_488 : vector<16xf32>
          %mul3A_490 = arith.mulf %mul3A_473, %gather3A_145 : vector<16xf32>
          %add3A_491 = arith.addf %add3A_489, %mul3A_490 : vector<16xf32>
          %mul3A_492 = arith.mulf %mul3A_476, %gather3A_169 : vector<16xf32>
          %add3A_493 = arith.addf %add3A_491, %mul3A_492 : vector<16xf32>
          %broadcast_in_dim3A_494 = arith.constant 0 : i32
          %broadcast_in_dim3A_495 = vector.broadcast %broadcast_in_dim3A_494 : i32 to vector<16xi32>
          tpu.vector_store_idx %arg29[%add3A_311, %broadcast_in_dim3A_495], %add3A_493 : memref<400x17xf32, #tpu.memory_space<vmem>>[vector<16xi32>, vector<16xi32>], vector<16xf32>,
          %mul3A_496 = arith.mulf %mul3A_455, %gather3A_4 : vector<16xf32>
          %mul3A_497 = arith.mulf %mul3A_458, %gather3A_28 : vector<16xf32>
          %add3A_498 = arith.addf %mul3A_496, %mul3A_497 : vector<16xf32>
          %mul3A_499 = arith.mulf %mul3A_461, %gather3A_52 : vector<16xf32>
          %add3A_500 = arith.addf %add3A_498, %mul3A_499 : vector<16xf32>
          %mul3A_501 = arith.mulf %mul3A_464, %gather3A_76 : vector<16xf32>
          %add3A_502 = arith.addf %add3A_500, %mul3A_501 : vector<16xf32>
          %mul3A_503 = arith.mulf %mul3A_467, %gather3A_100 : vector<16xf32>
          %add3A_504 = arith.addf %add3A_502, %mul3A_503 : vector<16xf32>
          %mul3A_505 = arith.mulf %mul3A_470, %gather3A_124 : vector<16xf32>
          %add3A_506 = arith.addf %add3A_504, %mul3A_505 : vector<16xf32>
          %mul3A_507 = arith.mulf %mul3A_473, %gather3A_148 : vector<16xf32>
          %add3A_508 = arith.addf %add3A_506, %mul3A_507 : vector<16xf32>
          %mul3A_509 = arith.mulf %mul3A_476, %gather3A_172 : vector<16xf32>
          %add3A_510 = arith.addf %add3A_508, %mul3A_509 : vector<16xf32>
          %broadcast_in_dim3A_511 = arith.constant 1 : i32
          %broadcast_in_dim3A_512 = vector.broadcast %broadcast_in_dim3A_511 : i32 to vector<16xi32>
          tpu.vector_store_idx %arg29[%add3A_311, %broadcast_in_dim3A_512], %add3A_510 : memref<400x17xf32, #tpu.memory_space<vmem>>[vector<16xi32>, vector<16xi32>], vector<16xf32>,
          %mul3A_513 = arith.mulf %mul3A_455, %gather3A_7 : vector<16xf32>
          %mul3A_514 = arith.mulf %mul3A_458, %gather3A_31 : vector<16xf32>
          %add3A_515 = arith.addf %mul3A_513, %mul3A_514 : vector<16xf32>
          %mul3A_516 = arith.mulf %mul3A_461, %gather3A_55 : vector<16xf32>
          %add3A_517 = arith.addf %add3A_515, %mul3A_516 : vector<16xf32>
          %mul3A_518 = arith.mulf %mul3A_464, %gather3A_79 : vector<16xf32>
          %add3A_519 = arith.addf %add3A_517, %mul3A_518 : vector<16xf32>
          %mul3A_520 = arith.mulf %mul3A_467, %gather3A_103 : vector<16xf32>
          %add3A_521 = arith.addf %add3A_519, %mul3A_520 : vector<16xf32>
          %mul3A_522 = arith.mulf %mul3A_470, %gather3A_127 : vector<16xf32>
          %add3A_523 = arith.addf %add3A_521, %mul3A_522 : vector<16xf32>
          %mul3A_524 = arith.mulf %mul3A_473, %gather3A_151 : vector<16xf32>
          %add3A_525 = arith.addf %add3A_523, %mul3A_524 : vector<16xf32>
          %mul3A_526 = arith.mulf %mul3A_476, %gather3A_175 : vector<16xf32>
          %add3A_527 = arith.addf %add3A_525, %mul3A_526 : vector<16xf32>
          %broadcast_in_dim3A_528 = arith.constant 2 : i32
          %broadcast_in_dim3A_529 = vector.broadcast %broadcast_in_dim3A_528 : i32 to vector<16xi32>
          tpu.vector_store_idx %arg29[%add3A_311, %broadcast_in_dim3A_529], %add3A_527 : memref<400x17xf32, #tpu.memory_space<vmem>>[vector<16xi32>, vector<16xi32>], vector<16xf32>,
          %mul3A_530 = arith.mulf %mul3A_455, %gather3A_10 : vector<16xf32>
          %mul3A_531 = arith.mulf %mul3A_458, %gather3A_34 : vector<16xf32>
          %add3A_532 = arith.addf %mul3A_530, %mul3A_531 : vector<16xf32>
          %mul3A_533 = arith.mulf %mul3A_461, %gather3A_58 : vector<16xf32>
          %add3A_534 = arith.addf %add3A_532, %mul3A_533 : vector<16xf32>
          %mul3A_535 = arith.mulf %mul3A_464, %gather3A_82 : vector<16xf32>
          %add3A_536 = arith.addf %add3A_534, %mul3A_535 : vector<16xf32>
          %mul3A_537 = arith.mulf %mul3A_467, %gather3A_106 : vector<16xf32>
          %add3A_538 = arith.addf %add3A_536, %mul3A_537 : vector<16xf32>
          %mul3A_539 = arith.mulf %mul3A_470, %gather3A_130 : vector<16xf32>
          %add3A_540 = arith.addf %add3A_538, %mul3A_539 : vector<16xf32>
          %mul3A_541 = arith.mulf %mul3A_473, %gather3A_154 : vector<16xf32>
          %add3A_542 = arith.addf %add3A_540, %mul3A_541 : vector<16xf32>
          %mul3A_543 = arith.mulf %mul3A_476, %gather3A_178 : vector<16xf32>
          %add3A_544 = arith.addf %add3A_542, %mul3A_543 : vector<16xf32>
          %broadcast_in_dim3A_545 = arith.constant 3 : i32
          %broadcast_in_dim3A_546 = vector.broadcast %broadcast_in_dim3A_545 : i32 to vector<16xi32>
          tpu.vector_store_idx %arg29[%add3A_311, %broadcast_in_dim3A_546], %add3A_544 : memref<400x17xf32, #tpu.memory_space<vmem>>[vector<16xi32>, vector<16xi32>], vector<16xf32>,
          %mul3A_547 = arith.mulf %mul3A_455, %gather3A_13 : vector<16xf32>
          %mul3A_548 = arith.mulf %mul3A_458, %gather3A_37 : vector<16xf32>
          %add3A_549 = arith.addf %mul3A_547, %mul3A_548 : vector<16xf32>
          %mul3A_550 = arith.mulf %mul3A_461, %gather3A_61 : vector<16xf32>
          %add3A_551 = arith.addf %add3A_549, %mul3A_550 : vector<16xf32>
          %mul3A_552 = arith.mulf %mul3A_464, %gather3A_85 : vector<16xf32>
          %add3A_553 = arith.addf %add3A_551, %mul3A_552 : vector<16xf32>
          %mul3A_554 = arith.mulf %mul3A_467, %gather3A_109 : vector<16xf32>
          %add3A_555 = arith.addf %add3A_553, %mul3A_554 : vector<16xf32>
          %mul3A_556 = arith.mulf %mul3A_470, %gather3A_133 : vector<16xf32>
          %add3A_557 = arith.addf %add3A_555, %mul3A_556 : vector<16xf32>
          %mul3A_558 = arith.mulf %mul3A_473, %gather3A_157 : vector<16xf32>
          %add3A_559 = arith.addf %add3A_557, %mul3A_558 : vector<16xf32>
          %mul3A_560 = arith.mulf %mul3A_476, %gather3A_181 : vector<16xf32>
          %add3A_561 = arith.addf %add3A_559, %mul3A_560 : vector<16xf32>
          %broadcast_in_dim3A_562 = arith.constant 4 : i32
          %broadcast_in_dim3A_563 = vector.broadcast %broadcast_in_dim3A_562 : i32 to vector<16xi32>
          tpu.vector_store_idx %arg29[%add3A_311, %broadcast_in_dim3A_563], %add3A_561 : memref<400x17xf32, #tpu.memory_space<vmem>>[vector<16xi32>, vector<16xi32>], vector<16xf32>,
          %mul3A_564 = arith.mulf %mul3A_455, %gather3A_16 : vector<16xf32>
          %mul3A_565 = arith.mulf %mul3A_458, %gather3A_40 : vector<16xf32>
          %add3A_566 = arith.addf %mul3A_564, %mul3A_565 : vector<16xf32>
          %mul3A_567 = arith.mulf %mul3A_461, %gather3A_64 : vector<16xf32>
          %add3A_568 = arith.addf %add3A_566, %mul3A_567 : vector<16xf32>
          %mul3A_569 = arith.mulf %mul3A_464, %gather3A_88 : vector<16xf32>
          %add3A_570 = arith.addf %add3A_568, %mul3A_569 : vector<16xf32>
          %mul3A_571 = arith.mulf %mul3A_467, %gather3A_112 : vector<16xf32>
          %add3A_572 = arith.addf %add3A_570, %mul3A_571 : vector<16xf32>
          %mul3A_573 = arith.mulf %mul3A_470, %gather3A_136 : vector<16xf32>
          %add3A_574 = arith.addf %add3A_572, %mul3A_573 : vector<16xf32>
          %mul3A_575 = arith.mulf %mul3A_473, %gather3A_160 : vector<16xf32>
          %add3A_576 = arith.addf %add3A_574, %mul3A_575 : vector<16xf32>
          %mul3A_577 = arith.mulf %mul3A_476, %gather3A_184 : vector<16xf32>
          %add3A_578 = arith.addf %add3A_576, %mul3A_577 : vector<16xf32>
          %broadcast_in_dim3A_579 = arith.constant 5 : i32
          %broadcast_in_dim3A_580 = vector.broadcast %broadcast_in_dim3A_579 : i32 to vector<16xi32>
          tpu.vector_store_idx %arg29[%add3A_311, %broadcast_in_dim3A_580], %add3A_578 : memref<400x17xf32, #tpu.memory_space<vmem>>[vector<16xi32>, vector<16xi32>], vector<16xf32>,
          %mul3A_581 = arith.mulf %mul3A_455, %gather3A_19 : vector<16xf32>
          %mul3A_582 = arith.mulf %mul3A_458, %gather3A_43 : vector<16xf32>
          %add3A_583 = arith.addf %mul3A_581, %mul3A_582 : vector<16xf32>
          %mul3A_584 = arith.mulf %mul3A_461, %gather3A_67 : vector<16xf32>
          %add3A_585 = arith.addf %add3A_583, %mul3A_584 : vector<16xf32>
          %mul3A_586 = arith.mulf %mul3A_464, %gather3A_91 : vector<16xf32>
          %add3A_587 = arith.addf %add3A_585, %mul3A_586 : vector<16xf32>
          %mul3A_588 = arith.mulf %mul3A_467, %gather3A_115 : vector<16xf32>
          %add3A_589 = arith.addf %add3A_587, %mul3A_588 : vector<16xf32>
          %mul3A_590 = arith.mulf %mul3A_470, %gather3A_139 : vector<16xf32>
          %add3A_591 = arith.addf %add3A_589, %mul3A_590 : vector<16xf32>
          %mul3A_592 = arith.mulf %mul3A_473, %gather3A_163 : vector<16xf32>
          %add3A_593 = arith.addf %add3A_591, %mul3A_592 : vector<16xf32>
          %mul3A_594 = arith.mulf %mul3A_476, %gather3A_187 : vector<16xf32>
          %add3A_595 = arith.addf %add3A_593, %mul3A_594 : vector<16xf32>
          %broadcast_in_dim3A_596 = arith.constant 6 : i32
          %broadcast_in_dim3A_597 = vector.broadcast %broadcast_in_dim3A_596 : i32 to vector<16xi32>
          tpu.vector_store_idx %arg29[%add3A_311, %broadcast_in_dim3A_597], %add3A_595 : memref<400x17xf32, #tpu.memory_space<vmem>>[vector<16xi32>, vector<16xi32>], vector<16xf32>,
          %mul3A_598 = arith.mulf %mul3A_455, %gather3A_22 : vector<16xf32>
          %mul3A_599 = arith.mulf %mul3A_458, %gather3A_46 : vector<16xf32>
          %add3A_600 = arith.addf %mul3A_598, %mul3A_599 : vector<16xf32>
          %mul3A_601 = arith.mulf %mul3A_461, %gather3A_70 : vector<16xf32>
          %add3A_602 = arith.addf %add3A_600, %mul3A_601 : vector<16xf32>
          %mul3A_603 = arith.mulf %mul3A_464, %gather3A_94 : vector<16xf32>
          %add3A_604 = arith.addf %add3A_602, %mul3A_603 : vector<16xf32>
          %mul3A_605 = arith.mulf %mul3A_467, %gather3A_118 : vector<16xf32>
          %add3A_606 = arith.addf %add3A_604, %mul3A_605 : vector<16xf32>
          %mul3A_607 = arith.mulf %mul3A_470, %gather3A_142 : vector<16xf32>
          %add3A_608 = arith.addf %add3A_606, %mul3A_607 : vector<16xf32>
          %mul3A_609 = arith.mulf %mul3A_473, %gather3A_166 : vector<16xf32>
          %add3A_610 = arith.addf %add3A_608, %mul3A_609 : vector<16xf32>
          %mul3A_611 = arith.mulf %mul3A_476, %gather3A_190 : vector<16xf32>
          %add3A_612 = arith.addf %add3A_610, %mul3A_611 : vector<16xf32>
          %broadcast_in_dim3A_613 = arith.constant 7 : i32
          %broadcast_in_dim3A_614 = vector.broadcast %broadcast_in_dim3A_613 : i32 to vector<16xi32>
          tpu.vector_store_idx %arg29[%add3A_311, %broadcast_in_dim3A_614], %add3A_612 : memref<400x17xf32, #tpu.memory_space<vmem>>[vector<16xi32>, vector<16xi32>], vector<16xf32>,
        }
        %scan3A_296 = arith.constant 25 : i32
        %dma_start3A_297 = arith.constant 0 : i32
        %dma_start3A_298 = arith.constant 0 : i32
        %dma_start3A_299 = tpu.memref_slice %arg5[%dma_start3A_297, %dma_start3A_298] : memref<32x32xf32, #tpu.memory_space<hbm>> -> memref<32x32xf32, #tpu.memory_space<hbm>>
        tpu.enqueue_indirect_dma source(%dma_start3A_299 : memref<32x32xf32, #tpu.memory_space<hbm>>) target(%arg30 : memref<400x32xf32, #tpu.memory_space<vmem>>) offsets(%arg27 : memref<400xi32, #tpu.memory_space<vmem>>) semaphore(%arg34 : memref<!tpu.dma_semaphore, #tpu.memory_space<semaphore_mem>>)
        %dma_start3A_300 = arith.constant 0 : i32
        %dma_start3A_301 = arith.constant 0 : i32
        %dma_start3A_302 = tpu.memref_slice %arg6[%dma_start3A_300, %dma_start3A_301] : memref<32x32xf32, #tpu.memory_space<hbm>> -> memref<32x32xf32, #tpu.memory_space<hbm>>
        tpu.enqueue_indirect_dma source(%dma_start3A_302 : memref<32x32xf32, #tpu.memory_space<hbm>>) target(%arg31 : memref<400x32xf32, #tpu.memory_space<vmem>>) offsets(%arg28 : memref<400xi32, #tpu.memory_space<vmem>>) semaphore(%arg34 : memref<!tpu.dma_semaphore, #tpu.memory_space<semaphore_mem>>)
      } else {
      }
      %add3A_280 = arith.constant 32 : i32
      %add3A_281 = arith.addi %add3A_249, %add3A_280 : i32
      %lt3A_282 = arith.constant 2000 : i32
      %lt3A_283 = arith.cmpi slt, %add3A_281, %lt3A_282 : i32
      %convert_element_type3A_284 = arith.extui %lt3A_283 : i1 to i32
      %cond3A_285 = arith.constant 0 : i32
      %cond3A_286 = arith.cmpi ne, %convert_element_type3A_284, %cond3A_285 : i32
      scf.if %cond3A_286 {
        %add3A_287 = arith.constant 32 : i32
        %add3A_288 = arith.addi %add3A_249, %add3A_287 : i32
        %mul3A_289 = arith.constant 400 : i32
        %mul3A_290 = arith.muli %add3A_288, %mul3A_289 : i32
        %dma_start3A_291 = tpu.memref_slice %arg3[%mul3A_290] : memref<800000xi32, #tpu.memory_space<hbm>> -> memref<400xi32, #tpu.memory_space<hbm>>
        %dma_start3A_292 = tpu.memref_slice %arg3[%mul3A_290] : memref<800000xi32, #tpu.memory_space<hbm>> -> memref<400xi32, #tpu.memory_space<hbm>>
        tpu.enqueue_dma source(%dma_start3A_292 : memref<400xi32, #tpu.memory_space<hbm>>) target(%arg10 : memref<400xi32, #tpu.memory_space<vmem>>) target_semaphore(%arg19 : memref<!tpu.dma_semaphore, #tpu.memory_space<semaphore_mem>>)
        %dma_start3A_293 = tpu.memref_slice %arg4[%mul3A_290] : memref<800000xi32, #tpu.memory_space<hbm>> -> memref<400xi32, #tpu.memory_space<hbm>>
        %dma_start3A_294 = tpu.memref_slice %arg4[%mul3A_290] : memref<800000xi32, #tpu.memory_space<hbm>> -> memref<400xi32, #tpu.memory_space<hbm>>
        tpu.enqueue_dma source(%dma_start3A_294 : memref<400xi32, #tpu.memory_space<hbm>>) target(%arg11 : memref<400xi32, #tpu.memory_space<vmem>>) target_semaphore(%arg19 : memref<!tpu.dma_semaphore, #tpu.memory_space<semaphore_mem>>)
      } else {
      }
    }
    %scan3A_199 = arith.constant 34 : i32
    return
  }
}

</mosaic_0001>

<sc_bundles>
// kernel: kernel.3.cloned.1.call-start
scs
__scs_entry_jumppad:
0x0: {  	(pc) =	sbr.rel $0x88, $3  }
0x1: {  	(tag) =	ssettag $0x0;
	lr =	simm.s32 $0x1  }
0x2: {  	[smem:$0x3F9C] =	sst lr;
	_ =	strace $0xD0000000  }
0x3: {  	_ = 	snop  }
0x4: {  	_ = 	snop  }
0x5: {  	_ = 	snop  }
0x6: {  	_ = 	snop  }
0x7: {  	_ = 	snop  }
__scs_overlays_trampoline_lowered:
0x8: {  	[smem:$0x3FAB] =	sst s0  }
0x9: {  	[smem:$0x3FAC] =	sst s1  }
0xa: {  	[smem:$0x3FAD] =	sst s2  }
0xb: {  	[smem:$0x3FAE] =	sst s3  }
0xc: {  	[smem:$0x3FAF] =	sst s4  }
0xd: {  	[smem:$0x3FB0] =	sst s5  }
0xe: {  	[smem:$0x3FB1] =	sst s6  }
0xf: {  	[smem:$0x3FB2] =	sst s7  }
0x10: {  	[smem:$0x3FB3] =	sst s8  }
0x11: {  	[smem:$0x3FB4] =	sst s9;
	s0 =	simm.s32 @!p0 $0x0  }
0x12: {  	s1 =	sld [smem:$0x3F9A];
	s0 =	simm.s32 @p0 $0x1  }
0x13: {  	[smem:$0x3FB5] =	sst s0;
	s0 =	simm.s32 @!p1 $0x0  }
0x14: {  	s2 =	sld [smem:$0x3F99];
	s0 =	simm.s32 @p1 $0x1  }
0x15: {  	[smem:$0x3FB6] =	sst s0;
	s0 =	simm.s32 @!p2 $0x0  }
0x16: {  	s3 =	sld [smem:$0x3FDB];
	s0 =	simm.s32 @p2 $0x1  }
0x17: {  	s4 =	simm.s32 $0x1BF5;
	[smem:$0x3FB8] =	sst s0  }
0x18: {  	s0 =	sld [smem:$0x3F9B];
	_ =	swait.ge [sflag:s4], $0x0  }
0x19: {  	s7 =	sld [smem:$0x3F9C]  }
0x1a: {  	s8 =	sadd.s32 $0xFFFFE003, lr  }
0x1b: {  	s9 =	sadd.s32 $0xFFFFFEF7, lr;
	s5 =	simm.s32 $0xFFFFFFFF;
	p2 =	slt.u32 s8, $0xFFFFF086  }
0x1c: {  	p1 =	slt.u32 s9, $0xF7A;
	s5 =	simm.s32 @!p2 $0x0  }
0x1d: {  	s5 =	simm.s32 @p1 $0x1;
	p0 =	seq.s32 s7, s2  }
0x1e: {  	s7 =	smul.u32 @!p0 $0xF7A, s2;
	p2 =	seq.s32 @!p0 s5, $0x0  }
0x1f: {  	s9 =	smul.u32 $0xF7A, s1;
	s8 =	simm.s32 @!p0 $0x1BF5;
	p2 =	por !p2, p0  }
0x20: {  	[sflag:s8] =	ssyncset.s32 @!p0 $0xFFFFF086;
	s6 =	sadd.s32 @!p0 s3, s7;
	s7 =	simm.s32 @!p0 $0x108  }
0x21: {  	s3 =	sadd.s32 s3, s9;
	s6 =	sadd.s32 @!p0 $0x88, s6;
	s7 =	simm.s32 @p2 $0x1082  }
0x22: {  	[simem:s7], [sflag:s8] =	dma.local @!p0 [hbm:s6], $0xF7A  }
0x23: {  	s9 =	sor.u32 $0xD0000000, s2;
	s6 =	simm.s32 $0x108;
	_ =	swait.ge @!p0 [sflag:s8], $0x0  }
0x24: {  	s3 =	sadd.s32 $0x88, s3;
	s6 =	simm.s32 @!p1 $0x1082;
	[sflag:s4] =	ssyncset.s32 $0xFFFFF086  }
0x25: {  	[simem:s6], [sflag:s4] =	dma.local [hbm:s3], $0xF7A  }
0x26: {  	[smem:$0x3F9C] =	sst s1;
	(tag) =	ssettag s2;
	_ =	strace s9  }
0x27: {  	s1 =	sld [smem:$0x3FAC]  }
0x28: {  	s2 =	sld [smem:$0x3FAD]  }
0x29: {  	s4 =	sld [smem:$0x3FAF]  }
0x2a: {  	p0 =	seq.s32 s5, $0x0;
	s5 =	sld [smem:$0x3FB0]  }
0x2b: {  	s6 =	sld [smem:$0x3FB1]  }
0x2c: {  	s7 =	sld [smem:$0x3FB2]  }
0x2d: {  	s3 =	simm.s32 $0x108;
	s8 =	sld [smem:$0x3FB3]  }
0x2e: {  	s3 =	simm.s32 @!p0 $0x1082;
	s9 =	sld [smem:$0x3FB4]  }
0x2f: {  	lr =	sadd.s32 s0, s3;
	s0 =	sld [smem:$0x3FAB]  }
0x30: {  	s3 =	sld [smem:$0x3FAE]  }
0x31: {  	[smem:$0x3FB7] =	sst s10  }
0x32: {  	s10 =	sld [smem:$0x3FB5];
	_ =	sdelay $0x3  }
0x33: {  	p0 =	seq.s32 s10, $0x1;
	s10 =	sld [smem:$0x3FB7];
	_ =	sdelay $0x3  }
0x34: {  	[smem:$0x3FB7] =	sst s10  }
0x35: {  	s10 =	sld [smem:$0x3FB6];
	_ =	sdelay $0x3  }
0x36: {  	p1 =	seq.s32 s10, $0x1;
	s10 =	sld [smem:$0x3FB7];
	_ =	sdelay $0x3  }
0x37: {  	[smem:$0x3FB7] =	sst s10  }
0x38: {  	s10 =	sld [smem:$0x3FB8]  }
0x39: {  	_ = 	snop;
	(pc) =	sbr.ind lr, $3  }
0x3a: {  	_ = 	snop  }
0x3b: {  	_ = 	snop  }
0x3c: {  	p2 =	seq.s32 s10, $0x1;
	s10 =	sld [smem:$0x3FB7]  }
0x3d: {  	_ =	shalt  }
0x3e: {  	_ =	shalt  }
0x3f: {  	_ =	shalt  }
0x40: {  	_ =	shalt  }
0x41: {  	_ =	shalt  }
0x42: {  	_ =	shalt  }
0x43: {  	_ =	shalt  }
0x44: {  	_ =	shalt  }
0x45: {  	_ =	shalt  }
0x46: {  	_ =	shalt  }
0x47: {  	_ =	shalt  }
0x48: {  	_ =	shalt  }
0x49: {  	_ =	shalt  }
0x4a: {  	_ =	shalt  }
0x4b: {  	_ =	shalt  }
0x4c: {  	_ =	shalt  }
0x4d: {  	_ =	shalt  }
0x4e: {  	_ =	shalt  }
0x4f: {  	_ =	shalt  }
0x50: {  	_ =	shalt  }
0x51: {  	_ =	shalt  }
0x52: {  	_ =	shalt  }
0x53: {  	_ =	shalt  }
0x54: {  	_ =	shalt  }
0x55: {  	_ =	shalt  }
0x56: {  	_ =	shalt  }
0x57: {  	_ =	shalt  }
0x58: {  	_ =	shalt  }
0x59: {  	_ =	shalt  }
0x5a: {  	_ =	shalt  }
0x5b: {  	_ =	shalt  }
0x5c: {  	_ =	shalt  }
0x5d: {  	_ =	shalt  }
0x5e: {  	_ =	shalt  }
0x5f: {  	_ =	shalt  }
0x60: {  	_ =	shalt  }
0x61: {  	_ =	shalt  }
0x62: {  	_ =	shalt  }
0x63: {  	_ =	shalt  }
0x64: {  	_ =	shalt  }
0x65: {  	_ =	shalt  }
0x66: {  	_ =	shalt  }
0x67: {  	_ =	shalt  }
0x68: {  	_ =	shalt  }
0x69: {  	_ =	shalt  }
0x6a: {  	_ =	shalt  }
0x6b: {  	_ =	shalt  }
0x6c: {  	_ =	shalt  }
0x6d: {  	_ =	shalt  }
0x6e: {  	_ =	shalt  }
0x6f: {  	_ =	shalt  }
0x70: {  	_ =	shalt  }
0x71: {  	_ =	shalt  }
0x72: {  	_ =	shalt  }
0x73: {  	_ =	shalt  }
0x74: {  	_ =	shalt  }
0x75: {  	_ =	shalt  }
0x76: {  	_ =	shalt  }
0x77: {  	_ =	shalt  }
0x78: {  	_ =	shalt  }
0x79: {  	_ =	shalt  }
0x7a: {  	_ =	shalt  }
0x7b: {  	_ =	shalt  }
0x7c: {  	_ =	shalt  }
0x7d: {  	_ =	shalt  }
0x7e: {  	_ =	shalt  }
0x7f: {  	_ =	shalt  }
0x80: {  	_ =	shalt  }
0x81: {  	_ =	shalt  }
0x82: {  	_ =	shalt  }
0x83: {  	_ =	shalt  }
0x84: {  	_ =	shalt  }
0x85: {  	_ =	shalt  }
0x86: {  	_ =	shalt  }
0x87: {  	_ =	shalt  }
.Lfunc_end0:
.L_simem_size_0:
called_computation.1_lowered:
.L_overlay_start_0:
0x88: {  	s2 =	sld [smem:$0x3FD9]  }
0x89: {  	s3 =	sld [smem:$0x3FFE];
	_ =	sdelay $0x1  }
0x8a: {  	s1 =	srdreg.scid  }
0x8b: {  	s0 =	sand.u32 $0x1, s1  }
0x8c: {  	s17 =	sshll.u32 s0, $0xA;
	s2 =	sadd.s32 s3, s2  }
0x8d: {  	s2 =	sadd.s32 s2, s17  }
0x8e: {  	[smem:$0x3FC3] =	sst s2  }
0x8f: {  	_ = 	snop  }
0x90: {  	s2 =	sld [smem:$0x3FD0];
	(tm) =	ssettm $0x1  }
0x91: {  	s18 =	sld [smem:$0x3FFB];
	_ =	sdelay $0x3  }
0x92: {  	_ =	strace s18  }
0x93: {  	s3 =	sld [smem:$0x3FFC];
	_ =	sdelay $0x3  }
0x94: {  	_ =	strace s3  }
0x95: {  	s3 =	sld [smem:$0x3FFD];
	_ =	sdelay $0x3  }
0x96: {  	_ =	strace s3  }
0x97: {  	_ =	strace $0x8FFFFFFF  }
0x98: {  	s19 =	sld [smem:$0x3FDB];
	_ =	sdelay $0x1  }
0x99: {  	s4 =	simm.s32 $_scs_section_size  }
0x9a: {  	s5 =	simm.s32 $_size__tile_overlayer_lowered;
	s6 =	simm.s32 $_tile_overlayer_lowered  }
0x9b: {  	s22 =	simm.s32 $0x1BFF;
	s21 =	sshll.u32 s6, $0x1;
	s3 =	sadd.s32 s4, s19  }
0x9c: {  	s7 =	simm.s32 $0x0;
	s20 =	sshll.u32 s5, $0x1;
	s5 =	sadd.s32 s21, s3  }
0x9d: {  	[timem:s7], [sflag:s22] =	dma.local [hbm:s5], s20  }
0x9e: {  	_ =	swait.ge [sflag:s22], s20  }
0x9f: {  	s4 =	ssub.s32 $0x0, s20;
	[sflag:s22] =	ssyncset.done $0x0  }
0xa0: {  	[sflag:s22] =	ssyncadd.s32 s4;
	_ =	sdelay $0x1  }
0xa1: {  	s23 =	simm.s32 $0x1B8B  }
0xa2: {  	_ =	swait.ge [sflag:s23], $0x1  }
0xa3: {  	[sflag:s23] =	ssyncset.done $0x0  }
0xa4: {  	s25 =	simm.s32 $0x1B8E;
	s24 =	sld [smem:$0x3FFE];
	[sflag:s23] =	ssyncadd.s32 $0xFFFFFFFF  }
0xa5: {  	s26 =	simm.s32 $execute0_lowered;
	[smem:$0x3FD2] =	sst s25  }
0xa6: {  	s5 =	sshll.u32 s26, $0x1;
	_ =	strace $0x80000046;
	[dreg:$0x1] =	wrdreg $0xFFFFFFFF  }
0xa7: {  	s28 =	simm.s32 $_size_execute0_lowered;
	s3 =	sadd.s32 s3, s5;
	[dreg:$0x0] =	wrdreg $0x0  }
0xa8: {  	s5 =	sshll.u32 s28, $0x1;
	[dreg:$0x2] =	wrdreg s3  }
0xa9: {  	[dreg:$0x3] =	wrdreg s5  }
0xaa: {  	[dreg:$0x4] =	wrdreg $0xC0  }
0xab: {  	_ =	task [dreg:s7], $0x5FFFF  }
0xac: {  	[dreg:$0x1] =	wrdreg $0xFFFFFFFF  }
0xad: {  	[dreg:$0x0] =	wrdreg $0x60  }
0xae: {  	[dreg:$0x2] =	wrdreg s24  }
0xaf: {  	[dreg:$0x3] =	wrdreg s2  }
0xb0: {  	[dreg:$0x4] =	wrdreg $0x9  }
0xb1: {  	_ =	task.clear_ibuf [dreg:s7], $0x5FFFF;
	_ =	strace $0x90000046  }
0xb2: {  	s29 =	simm.s32 $0x9;
	_ =	strace $0x80000048  }
0xb3: {  	_ =	swait.ge [sflag:s29], $0x1  }
0xb4: {  	[sflag:s29] =	ssyncadd.s32 $0xFFFFFFFF  }
0xb5: {  	_ =	strace $0x90000048  }
0xb6: {  	_ =	sfence  }
0xb7: {  	s30 =	sld [smem:$0x0];
	_ =	sdelay $0x2  }
0xb8: {  	s31 =	sshll.u32 s1, $0xD;
	s1 =	sshrl.u32 s1, $0x2  }
0xb9: {  	s3 =	sand.u32 $0x4000, s31;
	s1 =	sadd.s32 s1, s30  }
0xba: {  	s0 =	sor.u32 s3, s0;
	s1 =	sshll.u32 s1, $0x11  }
0xbb: {  	s0 =	sor.u32 s1, s0  }
0xbc: {  	s0 =	sadd.s32 $0x8F2B, s0  }
0xbd: {  	[sflag:s0] =	ssyncadd.remote.s32 $0x1  }
0xbe: {  	_ =	sfence.sel $0xFFFF  }
0xbf: {  	[dreg:$0x0] =	wrdreg $0xFFFFFFFF;
	(pc) =	sbr.abs _section_cstart, $3  }
0xc0: {  	[dreg:$0x1] =	wrdreg $0xFFFFFFFF  }
0xc1: {  	_ =	task.clear_ibuf [dreg:s7], $0x2FFFF;
	_ =	strace $0x9FFFFFFF  }
0xc2: {  	(tm) =	ssettm $0x7FFFFFFF  }
0xc3: {  	_ =	shalt  }
tec
execute0_lowered:
.L_overlay_start_1:
0x0: {  	(tag) =	ssettag $0x1  }
0x1: {  	s0 =	rddreg [dreg:$0x0]  }
0x2: {  	s10 =	rddreg [dreg:$0x1];
	s2 =	simm.s32 $0x0  }
0x3: {  	s1 =	srdreg.scid;
	s3 =	stileid.u32;
	s17 =	simm.s32 $0x48  }
0x4: {  	s19 =	simm.s32 $0x7;
	s20 =	simm.s32 $0x20;
	s23 =	simm.s32 $0x2  }
0x5: {  	s24 =	simm.s32 $0x368;
	s25 =	simm.s32 $0x1C68;
	s28 =	simm.s32 $0x190  }
0x6: {  	s11 =	simm.s32 $0xC528;
	s12 =	simm.s32 $0xDE28;
	s15 =	simm.s32 $0x3  }
0x7: {  	s16 =	simm.s32 $0x6;
	s29 =	simm.s32 $0xFA48;
	[smem:$0x7FF] =	sst s2  }
0x8: {  	s4 =	sadd.s32 $0x31A00, s0;
	s1 =	sand.u32 $0x1, s1;
	s3 =	sshll.u32 s3, $0x1  }
0x9: {  	s5 =	sadd.s32 $0x19000, s0;
	s6 =	sadd.s32 $0x800, s0;
	s8 =	sadd.s32 $0x600, s0  }
0xa: {  	s9 =	sadd.s32 $0x400, s0;
	s0 =	sadd.s32 $0x31800, s0;
	s7 =	sor.u32 s1, s3  }
0xb: {  	s13 =	sadd.s32 $0x1, s10;
	s14 =	sadd.s32 $0x5, s10;
	s3 =	smul.u32 $0x32, s7  }
.Ltmp0:
0xc: {  	_ =	strace $0x80000047;
	s1 =	ssub.s32 $0x2, s1;
	(pc) =	sbr.rel .LBB2_1-.Ltmp0, $4  }
0xd: {  	[dreg:$0x3] =	wrdreg s0;
	s26 =	sshrl.u32 s1, $0x1;
	s30 =	sadd.s32 s5, s3  }
0xe: {  	s0 =	ssub.s32 s1, s26;
	s31 =	sadd.s32 s6, s3;
	[dreg:$0x4] =	wrdreg s30  }
0xf: {  	s10 =	simm.s32 $0x5;
	s0 =	smax.u32 s0, $0x1;
	[dreg:$0x5] =	wrdreg s31  }
0x10: {  	s26 =	simm.s32 $0x3888;
	s1 =	simm.s32 $0x0;
	[dreg:$0x6] =	wrdreg s0  }
.LBB2_21:
0x11: {  	s1 =	rddreg [dreg:$0x7]  }
0x12: {  	s0 =	rddreg [dreg:$0x6];
	s1 =	sadd.s32 $0x1, s1  }
0x13: {  	p0 =	sne.s32 s1, s0  }
.Ltmp1:
0x14: {  	_ = 	snop;
	(pc) =	sbr.rel @!p0 .LBB2_22-.Ltmp1, $1  }
0x15: {  	_ =	sdelay $0x3  }
.LBB2_1:
0x16: {  	[dreg:$0x7] =	wrdreg s1  }
0x17: {  	s0 =	rddreg [dreg:$0x3];
	s18 =	simm.s32 $0x9;
	v0 =	vimm.s32 $0x8  }
0x18: {  	[tilespmem:s2], [sflag:$0x9] =	stream.linear.gather [hbm4b:s0+s2], $0x48, $0x38;
	[tilespmem:$0x183C8] =	vst v63  }
0x19: {  	_ =	swait.ge [sflag:s18], $0x48  }
0x1a: {  	[sflag:s18] =	ssyncset.done $0x0  }
0x1b: {  	[sflag:s18] =	ssyncadd.s32 $0xFFFFFFB8  }
0x1c: {  	v0 =	vld.idx.msk [tilespmem:v0+s2+$0x0], $0xffff;
	_ =	sdelay $0x4  }
0x1d: {  	[tilespmem:$0x1FEB0] =	vst v0;
	v0 =	vimm.s32 $0x9;
	_ =	sdelay $0x4  }
0x1e: {  	v0 =	vld.idx.msk [tilespmem:v0+s2+$0x0], $0xffff;
	_ =	sdelay $0x4  }
0x1f: {  	[tilespmem:$0x1FEC0] =	vst v0;
	v0 =	vimm.s32 $0xA;
	_ =	sdelay $0x4  }
0x20: {  	v17 =	vld.idx.msk [tilespmem:v0+s2+$0x0], $0xffff;
	v0 =	vimm.s32 $0xB;
	_ =	sdelay $0x4  }
0x21: {  	v18 =	vld.idx.msk [tilespmem:v0+s2+$0x0], $0xffff;
	v0 =	vimm.s32 $0xC;
	_ =	sdelay $0x4  }
0x22: {  	v19 =	vld.idx.msk [tilespmem:v0+s2+$0x0], $0xffff;
	v0 =	vimm.s32 $0xD;
	_ =	sdelay $0x4  }
0x23: {  	v20 =	vld.idx.msk [tilespmem:v0+s2+$0x0], $0xffff;
	v0 =	vimm.s32 $0xE;
	_ =	sdelay $0x4  }
0x24: {  	v0 =	vld.idx.msk [tilespmem:v0+s2+$0x0], $0xffff;
	_ =	sdelay $0x4  }
0x25: {  	[tilespmem:$0x1FED0] =	vst v0;
	v0 =	vimm.s32 $0xF;
	_ =	sdelay $0x4  }
0x26: {  	v0 =	vld.idx.msk [tilespmem:v0+s2+$0x0], $0xffff;
	_ =	sdelay $0x4  }
0x27: {  	[tilespmem:$0x1FEE0] =	vst v0;
	v0 =	vimm.s32 $0x10;
	_ =	sdelay $0x4  }
0x28: {  	v0 =	vld.idx.msk [tilespmem:v0+s2+$0x0], $0xffff;
	_ =	sdelay $0x4  }
0x29: {  	[tilespmem:$0x1FEF0] =	vst v0;
	v0 =	vimm.s32 $0x11;
	_ =	sdelay $0x4  }
0x2a: {  	v0 =	vld.idx.msk [tilespmem:v0+s2+$0x0], $0xffff;
	_ =	sdelay $0x4  }
0x2b: {  	[tilespmem:$0x1FF00] =	vst v0;
	v0 =	vimm.s32 $0x12;
	_ =	sdelay $0x4  }
0x2c: {  	v21 =	vld.idx.msk [tilespmem:v0+s2+$0x0], $0xffff;
	v0 =	vimm.s32 $0x13;
	_ =	sdelay $0x4  }
0x2d: {  	v33 =	vld.idx.msk [tilespmem:v0+s2+$0x0], $0xffff;
	v0 =	vimm.s32 $0x14;
	_ =	sdelay $0x4  }
0x2e: {  	v34 =	vld.idx.msk [tilespmem:v0+s2+$0x0], $0xffff;
	v0 =	vimm.s32 $0x15;
	_ =	sdelay $0x4  }
0x2f: {  	v35 =	vld.idx.msk [tilespmem:v0+s2+$0x0], $0xffff;
	v0 =	vimm.s32 $0x16;
	_ =	sdelay $0x4  }
0x30: {  	v36 =	vld.idx.msk [tilespmem:v0+s2+$0x0], $0xffff;
	v0 =	vimm.s32 $0x17;
	_ =	sdelay $0x4  }
0x31: {  	v37 =	vld.idx.msk [tilespmem:v0+s2+$0x0], $0xffff;
	v0 =	vimm.s32 $0x18;
	_ =	sdelay $0x4  }
0x32: {  	v38 =	vld.idx.msk [tilespmem:v0+s2+$0x0], $0xffff;
	v0 =	vimm.s32 $0x19;
	_ =	sdelay $0x4  }
0x33: {  	v39 =	vld.idx.msk [tilespmem:v0+s2+$0x0], $0xffff;
	v0 =	vimm.s32 $0x1A;
	_ =	sdelay $0x4  }
0x34: {  	v40 =	vld.idx.msk [tilespmem:v0+s2+$0x0], $0xffff;
	v0 =	vimm.s32 $0x1B;
	_ =	sdelay $0x4  }
0x35: {  	v41 =	vld.idx.msk [tilespmem:v0+s2+$0x0], $0xffff;
	v0 =	vimm.s32 $0x1C;
	_ =	sdelay $0x4  }
0x36: {  	v42 =	vld.idx.msk [tilespmem:v0+s2+$0x0], $0xffff;
	v0 =	vimm.s32 $0x1D;
	_ =	sdelay $0x4  }
0x37: {  	v43 =	vld.idx.msk [tilespmem:v0+s2+$0x0], $0xffff;
	v0 =	vimm.s32 $0x1E;
	_ =	sdelay $0x4  }
0x38: {  	v44 =	vld.idx.msk [tilespmem:v0+s2+$0x0], $0xffff;
	v0 =	vimm.s32 $0x1F;
	_ =	sdelay $0x4  }
0x39: {  	v45 =	vld.idx.msk [tilespmem:v0+s2+$0x0], $0xffff;
	v0 =	vimm.s32 $0x20;
	_ =	sdelay $0x4  }
0x3a: {  	v46 =	vld.idx.msk [tilespmem:v0+s2+$0x0], $0xffff;
	v0 =	vimm.s32 $0x21;
	_ =	sdelay $0x4  }
0x3b: {  	v47 =	vld.idx.msk [tilespmem:v0+s2+$0x0], $0xffff;
	v0 =	vimm.s32 $0x22;
	_ =	sdelay $0x4  }
0x3c: {  	v48 =	vld.idx.msk [tilespmem:v0+s2+$0x0], $0xffff;
	v0 =	vimm.s32 $0x23;
	_ =	sdelay $0x4  }
0x3d: {  	v49 =	vld.idx.msk [tilespmem:v0+s2+$0x0], $0xffff;
	v0 =	vimm.s32 $0x24;
	_ =	sdelay $0x4  }
0x3e: {  	v50 =	vld.idx.msk [tilespmem:v0+s2+$0x0], $0xffff;
	v0 =	vimm.s32 $0x25;
	_ =	sdelay $0x4  }
0x3f: {  	v51 =	vld.idx.msk [tilespmem:v0+s2+$0x0], $0xffff;
	v0 =	vimm.s32 $0x26;
	_ =	sdelay $0x4  }
0x40: {  	v52 =	vld.idx.msk [tilespmem:v0+s2+$0x0], $0xffff;
	v0 =	vimm.s32 $0x27;
	_ =	sdelay $0x4  }
0x41: {  	v53 =	vld.idx.msk [tilespmem:v0+s2+$0x0], $0xffff;
	v0 =	vimm.s32 $0x28;
	_ =	sdelay $0x4  }
0x42: {  	v54 =	vld.idx.msk [tilespmem:v0+s2+$0x0], $0xffff;
	v0 =	vimm.s32 $0x29;
	_ =	sdelay $0x4  }
0x43: {  	v55 =	vld.idx.msk [tilespmem:v0+s2+$0x0], $0xffff;
	v0 =	vimm.s32 $0x2A;
	_ =	sdelay $0x4  }
0x44: {  	v56 =	vld.idx.msk [tilespmem:v0+s2+$0x0], $0xffff;
	v0 =	vimm.s32 $0x2B;
	_ =	sdelay $0x4  }
0x45: {  	v57 =	vld.idx.msk [tilespmem:v0+s2+$0x0], $0xffff;
	v0 =	vimm.s32 $0x2C;
	_ =	sdelay $0x4  }
0x46: {  	v58 =	vld.idx.msk [tilespmem:v0+s2+$0x0], $0xffff;
	v0 =	vimm.s32 $0x2D;
	_ =	sdelay $0x4  }
0x47: {  	v59 =	vld.idx.msk [tilespmem:v0+s2+$0x0], $0xffff;
	v0 =	vimm.s32 $0x2E;
	_ =	sdelay $0x4  }
0x48: {  	v60 =	vld.idx.msk [tilespmem:v0+s2+$0x0], $0xffff;
	v0 =	vimm.s32 $0x2F;
	_ =	sdelay $0x4  }
0x49: {  	v61 =	vld.idx.msk [tilespmem:v0+s2+$0x0], $0xffff;
	v0 =	vimm.s32 $0x30;
	_ =	sdelay $0x4  }
0x4a: {  	v62 =	vld.idx.msk [tilespmem:v0+s2+$0x0], $0xffff;
	v0 =	vimm.s32 $0x31;
	_ =	sdelay $0x4  }
0x4b: {  	v63 =	vld.idx.msk [tilespmem:v0+s2+$0x0], $0xffff;
	v0 =	vimm.s32 $0x32;
	_ =	sdelay $0x4  }
0x4c: {  	v1 =	vld.idx.msk [tilespmem:v0+s2+$0x0], $0xffff;
	v0 =	vimm.s32 $0x33;
	_ =	sdelay $0x4  }
0x4d: {  	v24 =	vld.idx.msk [tilespmem:v0+s2+$0x0], $0xffff;
	v0 =	vimm.s32 $0x34;
	_ =	sdelay $0x4  }
0x4e: {  	v22 =	vld.idx.msk [tilespmem:v0+s2+$0x0], $0xffff;
	v0 =	vimm.s32 $0x35;
	_ =	sdelay $0x4  }
0x4f: {  	v23 =	vld.idx.msk [tilespmem:v0+s2+$0x0], $0xffff;
	v0 =	vimm.s32 $0x36;
	_ =	sdelay $0x4  }
0x50: {  	v0 =	vld.idx.msk [tilespmem:v0+s2+$0x0], $0xffff;
	_ =	sdelay $0x4  }
0x51: {  	[tilespmem:$0x1FF10] =	vst v0;
	v0 =	vimm.s32 $0x37;
	_ =	sdelay $0x4  }
0x52: {  	v0 =	vld.idx.msk [tilespmem:v0+s2+$0x0], $0xffff;
	_ =	sdelay $0x4  }
0x53: {  	[tilespmem:$0x1FF20] =	vst v0;
	v0 =	vimm.s32 $0x38;
	_ =	sdelay $0x4  }
0x54: {  	v25 =	vld.idx.msk [tilespmem:v0+s2+$0x0], $0xffff;
	v0 =	vimm.s32 $0x39;
	_ =	sdelay $0x4  }
0x55: {  	v26 =	vld.idx.msk [tilespmem:v0+s2+$0x0], $0xffff;
	v0 =	vimm.s32 $0x3A;
	_ =	sdelay $0x4  }
0x56: {  	v27 =	vld.idx.msk [tilespmem:v0+s2+$0x0], $0xffff;
	v0 =	vimm.s32 $0x3B;
	_ =	sdelay $0x4  }
0x57: {  	v28 =	vld.idx.msk [tilespmem:v0+s2+$0x0], $0xffff;
	v0 =	vimm.s32 $0x3C;
	_ =	sdelay $0x4  }
0x58: {  	v29 =	vld.idx.msk [tilespmem:v0+s2+$0x0], $0xffff;
	v0 =	vimm.s32 $0x3D;
	_ =	sdelay $0x4  }
0x59: {  	v32 =	vld.idx.msk [tilespmem:v0+s2+$0x0], $0xffff;
	v0 =	vimm.s32 $0x3E;
	_ =	sdelay $0x4  }
0x5a: {  	v0 =	vld.idx.msk [tilespmem:v0+s2+$0x0], $0xffff;
	_ =	sdelay $0x4  }
0x5b: {  	[tilespmem:$0x1FF30] =	vst v0;
	v0 =	vimm.s32 $0x3F;
	_ =	sdelay $0x4  }
0x5c: {  	v0 =	vld.idx.msk [tilespmem:v0+s2+$0x0], $0xffff;
	_ =	sdelay $0x4  }
0x5d: {  	[tilespmem:$0x1FF40] =	vst v0;
	v0 =	vimm.s32 $0x40;
	_ =	sdelay $0x4  }
0x5e: {  	v30 =	vld.idx.msk [tilespmem:v0+s2+$0x0], $0xffff;
	v0 =	vimm.s32 $0x41;
	_ =	sdelay $0x4  }
0x5f: {  	v31 =	vld.idx.msk [tilespmem:v0+s2+$0x0], $0xffff;
	v0 =	vimm.s32 $0x42;
	_ =	sdelay $0x4  }
0x60: {  	v2 =	vld.idx.msk [tilespmem:v0+s2+$0x0], $0xffff;
	v0 =	vimm.s32 $0x43;
	_ =	sdelay $0x4  }
0x61: {  	v3 =	vld.idx.msk [tilespmem:v0+s2+$0x0], $0xffff;
	v0 =	vimm.s32 $0x44;
	_ =	sdelay $0x4  }
0x62: {  	v4 =	vld.idx.msk [tilespmem:v0+s2+$0x0], $0xffff;
	v0 =	vimm.s32 $0x45;
	_ =	sdelay $0x4  }
0x63: {  	v5 =	vld.idx.msk [tilespmem:v0+s2+$0x0], $0xffff;
	v0 =	vimm.s32 $0x46;
	_ =	sdelay $0x4  }
0x64: {  	v0 =	vld.idx.msk [tilespmem:v0+s2+$0x0], $0xffff;
	_ =	sdelay $0x2  }
0x65: {  	[tilespmem:$0x1FF70] =	vst v17  }
0x66: {  	[tilespmem:$0x1FF80] =	vst v18  }
0x67: {  	[tilespmem:$0x1FF50] =	vst v0;
	v0 =	vimm.s32 $0x47  }
0x68: {  	[tilespmem:$0x1FF90] =	vst v19  }
0x69: {  	[tilespmem:$0x1FFA0] =	vst v20  }
0x6a: {  	[tilespmem:$0x1FFB0] =	vst v21  }
0x6b: {  	[tilespmem:$0x1FFC0] =	vst v2  }
0x6c: {  	[tilespmem:$0x1FFD0] =	vst v3;
	v0 =	vld.idx.msk [tilespmem:v0+s2+$0x0], $0xffff  }
.Ltmp2:
0x6d: {  	s21 =	rddreg [dreg:$0x4];
	[tilespmem:$0x1FFE0] =	vst v4;
	(pc) =	sbr.rel .LBB2_2-.Ltmp2, $4  }
0x6e: {  	[tilespmem:s17], [sflag:$0x1] =	stream.linear.gather [hbm4b:s21+s2], $0x190, $0x38;
	[tilespmem:$0x183C8] =	vst v63  }
0x6f: {  	s30 =	simm.s32 $0x1D8;
	s22 =	rddreg [dreg:$0x5];
	[tilespmem:$0x1FFF0] =	vst v5  }
0x70: {  	[tilespmem:s30], [sflag:$0x1] =	stream.linear.gather [hbm4b:s22+s2], $0x190, $0x38;
	[tilespmem:$0x183C8] =	vst v63  }
0x71: {  	s31 =	simm.s32 $0x0;
	[tilespmem:$0x1FF60] =	vst v0  }
.LBB2_20:
0x72: {  	s31 =	sadd.s32 $0x1, s31  }
0x73: {  	p0 =	sne.s32 s31, $0x22  }
.Ltmp3:
0x74: {  	_ = 	snop;
	(pc) =	sbr.rel @!p0 .LBB2_21-.Ltmp3, $1  }
0x75: {  	_ =	sdelay $0x3  }
.LBB2_2:
0x76: {  	s0 =	sshll.u32 s31, $0x6  }
0x77: {  	s21 =	sor.u32 s7, s0  }
0x78: {  	p1 =	sgt.u32 s21, $0x7CF  }
0x79: {  	s0 =	simm.s32 @!p1 $0x1  }
0x7a: {  	_ =	swait.ge @!p1 [sflag:s0], $0x190  }
0x7b: {  	[sflag:s0] =	ssyncset.done @!p1 $0x0  }
0x7c: {  	[sflag:s0] =	ssyncadd.s32 @!p1 $0xFFFFFE70  }
0x7d: {  	_ =	swait.ge @!p1 [sflag:s0], $0x190  }
0x7e: {  	s1 =	simm.s32 @!p1 $0x48;
	[sflag:s0] =	ssyncset.done @!p1 $0x0  }
0x7f: {  	s3 =	simm.s32 @!p1 $0x368;
	[sflag:s0] =	ssyncadd.s32 @!p1 $0xFFFFFE70;
	s0 =	simm.s32 @!p1 $0x190  }
0x80: {  	[tilespmem:s3], [sflag:$0x2] =	stream.indirect.gather @!p1 [hbm4b:s4+s0], $0x10, s1, s0, $0xb8;
	[tilespmem:$0x183C8] =	vst v63  }
0x81: {  	s1 =	sadd.s32 $0xFFFFFFE0, s21  }
0x82: {  	p0 =	sgt.u32 s1, $0x7CF  }
.Ltmp4:
0x83: {  	_ = 	snop;
	(pc) =	sbr.rel @p0 .LBB2_6-.Ltmp4, $3  }
0x84: {  	_ =	sdelay $0x1  }
0x85: {  	s18 =	simm.s32 @!p1 $0x1C68;
	s3 =	simm.s32 @!p1 $0x1D8  }
0x86: {  	[tilespmem:s18], [sflag:$0x2] =	stream.indirect.gather @!p1 [hbm4b:s4+s0], $0x10, s3, s0, $0xb8;
	[tilespmem:$0x183C8] =	vst v63  }
0x87: {  	_ =	swait.ge [sflag:s19], $0x3200  }
0x88: {  	[sflag:s19] =	ssyncset.done $0x0  }
0x89: {  	[sflag:s19] =	ssyncadd.s32 $0xFFFFCE00  }
0x8a: {  	_ =	swait.ge [sflag:s19], $0x3200  }
0x8b: {  	[sflag:s19] =	ssyncset.done $0x0  }
0x8c: {  	s3 =	smul.u32 $0xE10, s1;
	[sflag:s19] =	ssyncadd.s32 $0xFFFFCE00  }
0x8d: {  	s0 =	rddreg [dreg:$0x1]  }
0x8e: {  	s22 =	simm.s32 $0xFA48;
	s18 =	sadd.s32 s0, s3  }
0x8f: {  	s1 =	simm.s32 $0x9;
	s30 =	simm.s32 $0xFA60;
	s0 =	sadd.s32 $0x0, s18  }
.LBB2_4:
0x90: {  	[hbm4b:s0+s2] =	stream.linear.scatter [tilespmem:s22], [sflag:$0x8], $0x10, $0x38;
	[tilespmem:$0x183C8] =	vst v63  }
0x91: {  	s0 =	smov.u32 s1;
	s22 =	smov.u32 s30;
	p2 =	sne.s32 s1, $0xE07  }
.Ltmp5:
0x92: {  	s1 =	sadd.s32 $0x9, s1;
	(pc) =	sbr.rel @p2 .LBB2_4-.Ltmp5, $2  }
0x93: {  	_ =	sdelay $0x2  }
0x94: {  	s30 =	sadd.s32 $0x18, s30;
	s0 =	sadd.s32 s0, s18  }
0x95: {  	[hbm4b:s0+s2] =	stream.linear.scatter [tilespmem:s22], [sflag:$0x8], $0x10, $0x38;
	[tilespmem:$0x183C8] =	vst v63  }
0x96: {  	s18 =	sadd.s32 s3, s13;
	s1 =	simm.s32 $0x11FC8  }
0x97: {  	[hbm4b:s18+s20] =	stream.strided.scatter [tilespmem:s1], [sflag:$0x8], $0x3200, s17, s20, $0x38;
	[tilespmem:$0x183C8] =	vst v63  }
0x98: {  	s22 =	sadd.s32 s3, s14;
	s30 =	simm.s32 $0x151C8  }
0x99: {  	[hbm4b:s22+s20] =	stream.strided.scatter [tilespmem:s30], [sflag:$0x8], $0x3200, s17, s20, $0x38;
	[tilespmem:$0x183C8] =	vst v63  }
.LBB2_6:
0x9a: {  	s0 =	sadd.s32 $0xFFFFFFC0, s21  }
0x9b: {  	p2 =	sgt.u32 s0, $0x7CF  }
0x9c: {  	s0 =	simm.s32 @!p2 $0x4  }
0x9d: {  	_ =	swait.ge @!p2 [sflag:s0], $0x1900  }
0x9e: {  	[sflag:s0] =	ssyncset.done @!p2 $0x0  }
0x9f: {  	[sflag:s0] =	ssyncadd.s32 @!p2 $0xFFFFE700  }
0xa0: {  	_ =	swait.ge @!p2 [sflag:s0], $0x3200  }
.Ltmp6:
0xa1: {  	[sflag:s0] =	ssyncset.done @!p2 $0x0;
	(pc) =	sbr.rel @p1 .LBB2_10-.Ltmp6, $4  }
0xa2: {  	[sflag:s0] =	ssyncadd.s32 @!p2 $0xFFFFCE00  }
0xa3: {  	_ =	swait.ge @!p2 [sflag:s0], $0x3200  }
0xa4: {  	[sflag:s0] =	ssyncset.done @!p2 $0x0  }
0xa5: {  	[sflag:s0] =	ssyncadd.s32 @!p2 $0xFFFFCE00  }
0xa6: {  	_ =	swait.ge [sflag:s23], $0x1900  }
0xa7: {  	[sflag:s23] =	ssyncset.done $0x0  }
0xa8: {  	[sflag:s23] =	ssyncadd.s32 $0xFFFFE700  }
0xa9: {  	_ =	swait.ge [sflag:s23], $0x1900  }
0xaa: {  	s22 =	simm.s32 $0x0;
	[sflag:s23] =	ssyncset.done $0x0  }
0xab: {  	s3 =	simm.s32 $0x3568;
	s18 =	simm.s32 $0x36F8;
	v0 =	vmov v1;
	[sflag:s23] =	ssyncadd.s32 $0xFFFFE700  }
.LBB2_8:
0xac: {  	v1 =	vlaneseq.u32  }
0xad: {  	v1 =	vor.u32 s22, v1  }
0xae: {  	v2 =	vshll.u32 v1, $0x4;
	_ =	sdelay $0x1  }
0xaf: {  	v3 =	vor.u32 $0x1, v2;
	_ =	sdelay $0x1  }
0xb0: {  	v4 =	vor.u32 $0x2, v2  }
0xb1: {  	v5 =	vld.idx.msk [tilespmem:v2+s24+$0x0], $0xffff  }
0xb2: {  	v7 =	vld.idx.msk [tilespmem:v2+s25+$0x0], $0xffff  }
0xb3: {  	v6 =	vld.idx.msk [tilespmem:v3+s24+$0x0], $0xffff  }
0xb4: {  	v3 =	vld.idx.msk [tilespmem:v3+s25+$0x0], $0xffff  }
0xb5: {  	v8 =	vld.idx.msk [tilespmem:v4+s24+$0x0], $0xffff  }
0xb6: {  	v4 =	vld.idx.msk [tilespmem:v4+s25+$0x0], $0xffff;
	_ =	sdelay $0x2  }
0xb7: {  	v5 =	vsub.f32 v7, v5;
	v3 =	vsub.f32 v3, v6;
	_ =	sdelay $0x1  }
0xb8: {  	v4 =	vsub.f32 v4, v8;
	v5 =	vmul.f32 v5, v5;
	v3 =	vmul.f32 v3, v3;
	_ =	sdelay $0x1  }
0xb9: {  	v4 =	vmul.f32 v4, v4;
	v3 =	vadd.f32 v3, v5;
	_ =	sdelay $0x1  }
0xba: {  	v3 =	vadd.f32 v4, v3;
	_ =	sdelay $0x1  }
0xbb: {  	v3 =	vadd.f32 $9.999999960e-13, v3;
	_ =	sdelay $0x1  }
0xbc: {  	v12 =	vshra.s32 v3, $0x1;
	v13 =	vmul.f32 $5.000000000e-01, v3  }
0xbd: {  	v4 =	vsub.s32 $0x5F3759DF, v12  }
0xbe: {  	v14 =	vmul.f32 v4, v13;
	_ =	sdelay $0x1  }
0xbf: {  	v6 =	vmul.f32 v4, v14;
	_ =	sdelay $0x1  }
0xc0: {  	v6 =	vsub.f32 $1.500000000e+00, v6;
	_ =	sdelay $0x1  }
0xc1: {  	v4 =	vmul.f32 v4, v6;
	_ =	sdelay $0x1  }
0xc2: {  	v6 =	vmul.f32 v4, v13;
	_ =	sdelay $0x1  }
0xc3: {  	v6 =	vmul.f32 v6, v4;
	_ =	sdelay $0x1  }
0xc4: {  	v6 =	vsub.f32 $1.500000000e+00, v6;
	_ =	sdelay $0x1  }
0xc5: {  	v4 =	vmul.f32 v6, v4;
	_ =	sdelay $0x1  }
0xc6: {  	v5 =	vmul.f32 v4, v13;
	_ =	sdelay $0x1  }
0xc7: {  	v5 =	vmul.f32 v5, v4;
	_ =	sdelay $0x1  }
0xc8: {  	v5 =	vsub.f32 $1.500000000e+00, v5;
	_ =	sdelay $0x1  }
0xc9: {  	v4 =	vmul.f32 v5, v4;
	_ =	sdelay $0x1  }
0xca: {  	v3 =	vmul.f32 v4, v3;
	_ =	sdelay $0x1  }
0xcb: {  	v3 =	vmul.f32 $6.283185480e-01, v3;
	_ =	sdelay $0x1  }
0xcc: {  	v9 =	vmul.f32 $1.591549370e-01, v3;
	_ =	sdelay $0x1  }
0xcd: {  	v5 =	vadd.f32 $5.000000000e-01, v9;
	_ =	sdelay $0x1  }
0xce: {  	v5 =	vtrunc.f32 v5  }
0xcf: {  	v5 =	vcvt.f32.s32 v5;
	_ =	sdelay $0x1  }
0xd0: {  	v5 =	vcvt.s32.f32 v5;
	_ =	sdelay $0x1  }
0xd1: {  	v5 =	vmul.f32 $-6.283185480e+00, v5;
	_ =	sdelay $0x1  }
0xd2: {  	v3 =	vadd.f32 v5, v3;
	_ =	sdelay $0x1  }
0xd3: {  	v5 =	vmul.f32 v3, v3;
	_ =	sdelay $0x1  }
0xd4: {  	v10 =	vmul.f32 $-2.219369430e-07, v5;
	_ =	sdelay $0x1  }
0xd5: {  	v6 =	vadd.f32 $2.425313690e-05, v10;
	_ =	sdelay $0x1  }
0xd6: {  	v11 =	vmul.f32 $2.173210080e-06, v5;
	v6 =	vmul.f32 v6, v5;
	_ =	sdelay $0x1  }
0xd7: {  	v7 =	vadd.f32 $-1.931618170e-04, v11;
	v6 =	vadd.f32 $-1.386274350e-03, v6;
	_ =	sdelay $0x1  }
0xd8: {  	v7 =	vmul.f32 v7, v5;
	v6 =	vmul.f32 v6, v5;
	_ =	sdelay $0x1  }
0xd9: {  	v7 =	vadd.f32 $8.312382740e-03, v7;
	v6 =	vadd.f32 $4.166103150e-02, v6;
	_ =	sdelay $0x1  }
0xda: {  	v7 =	vmul.f32 v7, v5;
	v6 =	vmul.f32 v6, v5;
	_ =	sdelay $0x1  }
0xdb: {  	v7 =	vadd.f32 $-1.666325780e-01, v7;
	v6 =	vadd.f32 $-4.999955890e-01, v6;
	_ =	sdelay $0x1  }
0xdc: {  	v7 =	vmul.f32 v7, v5;
	v5 =	vmul.f32 v6, v5;
	_ =	sdelay $0x1  }
0xdd: {  	v12 =	vadd.f32 $9.999845620e-01, v7;
	v5 =	vadd.f32 $9.999994630e-01, v5;
	_ =	sdelay $0x1  }
0xde: {  	v3 =	vmul.f32 v12, v3;
	v5 =	vadd.f32 v5, v5;
	_ =	sdelay $0x1  }
0xdf: {  	v6 =	vmul.f32 v5, v3;
	_ =	sdelay $0x1  }
0xe0: {  	v13 =	vmul.f32 v6, v5;
	_ =	sdelay $0x1  }
0xe1: {  	v7 =	vsub.f32 v13, v3;
	_ =	sdelay $0x1  }
0xe2: {  	v14 =	vmul.f32 v7, v5;
	_ =	sdelay $0x1  }
0xe3: {  	v8 =	vsub.f32 v14, v6  }
0xe4: {  	v15 =	vld [tilespmem:$0x1FEC0]  }
0xe5: {  	v16 =	vld [tilespmem:$0x1FF00];
	v9 =	vmul.f32 v8, v5  }
0xe6: {  	v4 =	vmul.f32 $4.000000060e-01, v4;
	v13 =	vld [tilespmem:$0x1FEB0]  }
0xe7: {  	v14 =	vld [tilespmem:$0x1FEF0];
	v9 =	vsub.f32 v9, v7  }
0xe8: {  	v3 =	vmul.f32 v3, v4  }
0xe9: {  	v6 =	vmul.f32 v6, v4;
	v10 =	vmul.f32 v9, v5  }
0xea: {  	v15 =	vmul.f32 v3, v15  }
0xeb: {  	v13 =	vmul.f32 v3, v13;
	v16 =	vmul.f32 v6, v16;
	v10 =	vsub.f32 v10, v8  }
0xec: {  	v7 =	vmul.f32 v7, v4;
	v14 =	vmul.f32 v6, v14  }
0xed: {  	v11 =	vmul.f32 v9, v4;
	v12 =	vmul.f32 v10, v5  }
0xee: {  	v15 =	vadd.f32 v16, v15;
	v16 =	vmul.f32 v7, v39;
	v8 =	vmul.f32 v8, v4  }
0xef: {  	v9 =	vsub.f32 v12, v9;
	v12 =	vadd.f32 v14, v13;
	v13 =	vmul.f32 v7, v38  }
0xf0: {  	v15 =	vadd.f32 v16, v15;
	v16 =	vmul.f32 v8, v47  }
0xf1: {  	v5 =	vmul.f32 v9, v5;
	v12 =	vadd.f32 v13, v12;
	v13 =	vmul.f32 v8, v46  }
0xf2: {  	v14 =	vmul.f32 v10, v4;
	v15 =	vadd.f32 v16, v15;
	v16 =	vmul.f32 v11, v55  }
0xf3: {  	v5 =	vsub.f32 v5, v10;
	v10 =	vadd.f32 v13, v12;
	v12 =	vmul.f32 v11, v54  }
0xf4: {  	v9 =	vmul.f32 v9, v4;
	v13 =	vmul.f32 v14, v62  }
0xf5: {  	v10 =	vadd.f32 v12, v10;
	v12 =	vmul.f32 v3, v17;
	v17 =	vmul.f32 v6, v21  }
0xf6: {  	v4 =	vmul.f32 v5, v4;
	v5 =	vadd.f32 v16, v15;
	v15 =	vmul.f32 v14, v63  }
0xf7: {  	v10 =	vadd.f32 v13, v10;
	v12 =	vadd.f32 v17, v12;
	v13 =	vmul.f32 v7, v40  }
0xf8: {  	v16 =	vmul.f32 v9, v25;
	v17 =	vmul.f32 v4, v30;
	v5 =	vadd.f32 v15, v5  }
0xf9: {  	v15 =	vmul.f32 v9, v26;
	v12 =	vadd.f32 v13, v12;
	v13 =	vmul.f32 v8, v48  }
0xfa: {  	v10 =	vadd.f32 v16, v10;
	v16 =	vmul.f32 v3, v18;
	v18 =	vmul.f32 v6, v33  }
0xfb: {  	v5 =	vadd.f32 v15, v5;
	v12 =	vadd.f32 v13, v12;
	v13 =	vmul.f32 v11, v56  }
0xfc: {  	v15 =	vmul.f32 v4, v31;
	v16 =	vadd.f32 v18, v16;
	v18 =	vmul.f32 v7, v41  }
0xfd: {  	v10 =	vadd.f32 v17, v10;
	v12 =	vadd.f32 v13, v12;
	v13 =	vmul.f32 v14, v0  }
0xfe: {  	v5 =	vadd.f32 v15, v5;
	v15 =	vadd.f32 v18, v16;
	v16 =	vmul.f32 v8, v49  }
0xff: {  	v17 =	vmul.f32 v6, v34;
	v12 =	vadd.f32 v13, v12;
	v13 =	vmul.f32 v3, v19  }
0x100: {  	v15 =	vadd.f32 v16, v15  }
0x101: {  	v16 =	vmul.f32 v11, v57;
	v13 =	vadd.f32 v17, v13;
	v17 =	vmul.f32 v7, v42;
	_ =	sdelay $0x1  }
0x102: {  	v15 =	vadd.f32 v16, v15;
	v16 =	vmul.f32 v8, v50;
	v13 =	vadd.f32 v17, v13  }
0x103: {  	v18 =	vmul.f32 v9, v27  }
0x104: {  	v13 =	vadd.f32 v16, v13;
	v16 =	vmul.f32 v11, v58  }
0x105: {  	v12 =	vadd.f32 v18, v12;
	v18 =	vmul.f32 v3, v20;
	v20 =	vmul.f32 v6, v35  }
0x106: {  	v19 =	vld [tilespmem:$0x1FFC0];
	v13 =	vadd.f32 v16, v13;
	v16 =	vmul.f32 v14, v22  }
0x107: {  	v17 =	vmul.f32 v14, v24;
	v18 =	vadd.f32 v20, v18  }
0x108: {  	v20 =	vmul.f32 v7, v43;
	v13 =	vadd.f32 v16, v13;
	v16 =	vmul.f32 v9, v29  }
0x109: {  	v15 =	vadd.f32 v17, v15  }
0x10a: {  	v17 =	vadd.f32 v20, v18;
	v18 =	vmul.f32 v8, v51;
	v13 =	vadd.f32 v16, v13;
	v16 =	vld [tilespmem:$0x1FFE0]  }
0x10b: {  	v2 =	vor.u32 $0x3, v2;
	v19 =	vmul.f32 v4, v19  }
0x10c: {  	v17 =	vadd.f32 v18, v17;
	v18 =	vmul.f32 v11, v59  }
0x10d: {  	v12 =	vadd.f32 v19, v12;
	v19 =	vmul.f32 v9, v28  }
0x10e: {  	v17 =	vadd.f32 v18, v17;
	v18 =	vmul.f32 v14, v23  }
0x10f: {  	v15 =	vadd.f32 v19, v15;
	v19 =	vld [tilespmem:$0x1FFD0];
	v16 =	vmul.f32 v4, v16  }
0x110: {  	v21 =	vld.idx.msk [tilespmem:v2+s24+$0x0], $0xffff;
	v17 =	vadd.f32 v18, v17;
	v18 =	vmul.f32 v9, v32  }
0x111: {  	v13 =	vadd.f32 v16, v13;
	v16 =	vld [tilespmem:$0x1FED0]  }
0x112: {  	v17 =	vadd.f32 v18, v17;
	v18 =	vld [tilespmem:$0x1FEE0]  }
0x113: {  	v2 =	vld.idx.msk [tilespmem:v2+s25+$0x0], $0xffff  }
0x114: {  	v19 =	vmul.f32 v4, v19;
	_ =	sdelay $0x1  }
0x115: {  	v15 =	vadd.f32 v19, v15;
	v19 =	vmul.f32 v6, v36;
	v16 =	vmul.f32 v3, v16  }
0x116: {  	v6 =	vmul.f32 v6, v37;
	v3 =	vmul.f32 v3, v18  }
0x117: {  	v2 =	vtrunc.f32 v2;
	v18 =	vmul.f32 v7, v44;
	v16 =	vadd.f32 v19, v16  }
0x118: {  	v20 =	vtrunc.f32 v21;
	v3 =	vadd.f32 v6, v3;
	v6 =	vmul.f32 v7, v45  }
0x119: {  	v20 =	vcvt.f32.s32 v20;
	v7 =	vadd.f32 v18, v16;
	v16 =	vmul.f32 v8, v52  }
0x11a: {  	v2 =	vcvt.f32.s32 v2;
	v3 =	vadd.f32 v6, v3;
	v8 =	vmul.f32 v8, v53  }
0x11b: {  	v1 =	vmul.u32 $0x18, v1;
	[tilespmem:s3+$0x0] =	vst v20;
	v7 =	vadd.f32 v16, v7  }
0x11c: {  	[tilespmem:s18+$0x0] =	vst v2;
	v16 =	vmul.f32 v11, v60;
	v2 =	vadd.f32 v8, v3;
	v8 =	vmul.f32 v11, v61;
	v11 =	vld [tilespmem:$0x1FF10];
	_ =	sdelay $0x1  }
0x11d: {  	v6 =	vor.u32 $0x1, v1;
	v7 =	vadd.f32 v16, v7;
	v16 =	vld [tilespmem:$0x1FF20];
	_ =	sdelay $0x2  }
0x11e: {  	v11 =	vmul.f32 v14, v11  }
0x11f: {  	[tilespmem:v1+s26+$0x0] =	vst.idx.msk $0xffff, v10;
	v2 =	vadd.f32 v8, v2  }
0x120: {  	v18 =	vor.u32 $0x2, v1;
	[tilespmem:v6+s26+$0x0] =	vst.idx.msk $0xffff, v5;
	v14 =	vmul.f32 v14, v16;
	v6 =	vadd.f32 v11, v7;
	v11 =	vld [tilespmem:$0x1FF30];
	_ =	sdelay $0x1  }
0x121: {  	v3 =	vor.u32 $0x3, v1;
	v2 =	vadd.f32 v14, v2;
	v14 =	vld [tilespmem:$0x1FF50];
	_ =	sdelay $0x1  }
0x122: {  	v8 =	vld [tilespmem:$0x1FFF0]  }
0x123: {  	[tilespmem:v18+s26+$0x0] =	vst.idx.msk $0xffff, v12;
	v12 =	vld [tilespmem:$0x1FF40];
	v7 =	vmul.f32 v9, v11;
	_ =	sdelay $0x1  }
0x124: {  	[tilespmem:v3+s26+$0x0] =	vst.idx.msk $0xffff, v15;
	v3 =	vadd.f32 v7, v6;
	v6 =	vmul.f32 v4, v14;
	v14 =	vld [tilespmem:$0x1FF60]  }
0x125: {  	v10 =	vor.u32 $0x4, v1  }
0x126: {  	v5 =	vor.u32 $0x5, v1  }
0x127: {  	v8 =	vmul.f32 v4, v8;
	v11 =	vor.u32 $0x6, v1;
	v9 =	vmul.f32 v9, v12  }
0x128: {  	p1 =	sne.s32 s22, $0x180;
	v1 =	vor.u32 $0x7, v1  }
.Ltmp7:
0x129: {  	v21 =	vld [tilespmem:$0x1FFB0];
	v12 =	vadd.f32 v8, v17;
	v2 =	vadd.f32 v9, v2;
	v4 =	vmul.f32 v4, v14;
	(pc) =	sbr.rel @p1 .LBB2_8-.Ltmp7, $4  }
0x12a: {  	v20 =	vld [tilespmem:$0x1FFA0];
	[tilespmem:v10+s26+$0x0] =	vst.idx.msk $0xffff, v13;
	v3 =	vadd.f32 v6, v3  }
0x12b: {  	v19 =	vld [tilespmem:$0x1FF90];
	[tilespmem:v5+s26+$0x0] =	vst.idx.msk $0xffff, v12;
	v2 =	vadd.f32 v4, v2  }
0x12c: {  	v18 =	vld [tilespmem:$0x1FF80];
	[tilespmem:v11+s26+$0x0] =	vst.idx.msk $0xffff, v3  }
0x12d: {  	s22 =	sadd.s32 $0x10, s22;
	s3 =	sadd.s32 $0x10, s3;
	s18 =	sadd.s32 $0x10, s18;
	v17 =	vld [tilespmem:$0x1FF70];
	[tilespmem:v1+s26+$0x0] =	vst.idx.msk $0xffff, v2  }
0x12e: {  	s0 =	simm.s32 $0x3568;
	s1 =	simm.s32 $0x5E08  }
0x12f: {  	[tilespmem:s1], [sflag:$0x3] =	stream.indirect.gather [hbm4b:s8+s28], $0x20, s0, s28, $0xb8;
	[tilespmem:$0x183C8] =	vst v63  }
0x130: {  	s22 =	simm.s32 $0x36F8;
	s30 =	simm.s32 $0x9008  }
0x131: {  	v1 =	vmov v0;
	[tilespmem:s30], [sflag:$0x3] =	stream.indirect.gather [hbm4b:s9+s28], $0x20, s22, s28, $0xb8;
	[tilespmem:$0x183C8] =	vst v63  }
.LBB2_10:
0x132: {  	s21 =	sor.u32 $0x20, s21  }
0x133: {  	p1 =	sgt.u32 s21, $0x7CF  }
.Ltmp8:
0x134: {  	_ = 	snop;
	(pc) =	sbr.rel @p1 .LBB2_12-.Ltmp8, $1  }
0x135: {  	_ =	sdelay $0x3  }
0x136: {  	s0 =	smul.u32 $0x32, s21;
	_ =	sdelay $0x1  }
0x137: {  	s3 =	simm.s32 $0xC208;
	s1 =	sadd.s32 s5, s0  }
0x138: {  	[tilespmem:s3], [sflag:$0x5] =	stream.linear.gather [hbm4b:s1+s2], $0x190, $0x38;
	[tilespmem:$0x183C8] =	vst v63  }
0x139: {  	s30 =	simm.s32 $0xC398;
	s0 =	sadd.s32 s6, s0  }
0x13a: {  	[tilespmem:s30], [sflag:$0x5] =	stream.linear.gather [hbm4b:s0+s2], $0x190, $0x38;
	[tilespmem:$0x183C8] =	vst v63  }
0x13b: {  	_ =	swait.ge [sflag:s10], $0x190  }
0x13c: {  	[sflag:s10] =	ssyncset.done $0x0  }
0x13d: {  	[sflag:s10] =	ssyncadd.s32 $0xFFFFFE70  }
0x13e: {  	_ =	swait.ge [sflag:s10], $0x190  }
.Ltmp9:
0x13f: {  	[sflag:s10] =	ssyncset.done $0x0;
	(pc) =	sbr.rel .LBB2_13-.Ltmp9, $4  }
0x140: {  	[sflag:s10] =	ssyncadd.s32 $0xFFFFFE70  }
0x141: {  	[tilespmem:s11], [sflag:$0x6] =	stream.indirect.gather [hbm4b:s4+s28], $0x10, s3, s28, $0xb8;
	[tilespmem:$0x183C8] =	vst v63  }
0x142: {  	_ = 	snop  }
0x143: {  	[tilespmem:s12], [sflag:$0x6] =	stream.indirect.gather [hbm4b:s4+s28], $0x10, s30, s28, $0xb8;
	[tilespmem:$0x183C8] =	vst v63  }
.LBB2_12:
0x144: {  	p2 =	sgt.u32 s21, $0x7EF  }
.Ltmp10:
0x145: {  	_ = 	snop;
	(pc) =	sbr.rel @p2 .LBB2_16-.Ltmp10, $1  }
0x146: {  	_ =	sdelay $0x3  }
.LBB2_13:
0x147: {  	_ =	swait.ge [sflag:s15], $0x3200  }
0x148: {  	[sflag:s15] =	ssyncset.done $0x0  }
0x149: {  	[sflag:s15] =	ssyncadd.s32 $0xFFFFCE00  }
0x14a: {  	s0 =	smul.u32 $0x7080, s21;
	_ =	swait.ge [sflag:s15], $0x3200  }
0x14b: {  	[sflag:s15] =	ssyncset.done $0x0  }
0x14c: {  	s0 =	sadd.s32 $0xFFF1F000, s0;
	[sflag:s15] =	ssyncadd.s32 $0xFFFFCE00  }
0x14d: {  	s3 =	sshrl.u32 s0, $0x3;
	s22 =	rddreg [dreg:$0x1]  }
0x14e: {  	s1 =	simm.s32 $0x9;
	s18 =	sadd.s32 s22, s3  }
0x14f: {  	s30 =	simm.s32 $0x38A0;
	s22 =	simm.s32 $0x3888;
	s0 =	sadd.s32 $0x0, s18  }
.LBB2_14:
0x150: {  	[hbm4b:s0+s2] =	stream.linear.scatter [tilespmem:s22], [sflag:$0x4], $0x10, $0x38;
	[tilespmem:$0x183C8] =	vst v63  }
0x151: {  	s0 =	smov.u32 s1;
	s22 =	smov.u32 s30;
	p2 =	sne.s32 s1, $0xE07  }
.Ltmp11:
0x152: {  	s1 =	sadd.s32 $0x9, s1;
	(pc) =	sbr.rel @p2 .LBB2_14-.Ltmp11, $2  }
0x153: {  	_ =	sdelay $0x2  }
0x154: {  	s30 =	sadd.s32 $0x18, s30;
	s0 =	sadd.s32 s0, s18  }
0x155: {  	[hbm4b:s0+s2] =	stream.linear.scatter [tilespmem:s22], [sflag:$0x4], $0x10, $0x38;
	[tilespmem:$0x183C8] =	vst v63  }
0x156: {  	s18 =	sadd.s32 s3, s13;
	s1 =	simm.s32 $0x5E08  }
0x157: {  	[hbm4b:s18+s20] =	stream.strided.scatter [tilespmem:s1], [sflag:$0x4], $0x3200, s17, s20, $0x38;
	[tilespmem:$0x183C8] =	vst v63  }
0x158: {  	s22 =	sadd.s32 s3, s14;
	s30 =	simm.s32 $0x9008  }
0x159: {  	[hbm4b:s22+s20] =	stream.strided.scatter [tilespmem:s30], [sflag:$0x4], $0x3200, s17, s20, $0x38;
	[tilespmem:$0x183C8] =	vst v63  }
.LBB2_16:
0x15a: {  	s0 =	simm.s32 @!p0 $0x8  }
0x15b: {  	_ =	swait.ge @!p0 [sflag:s0], $0x1900  }
0x15c: {  	[sflag:s0] =	ssyncset.done @!p0 $0x0  }
0x15d: {  	[sflag:s0] =	ssyncadd.s32 @!p0 $0xFFFFE700  }
0x15e: {  	_ =	swait.ge @!p0 [sflag:s0], $0x3200  }
.Ltmp12:
0x15f: {  	[sflag:s0] =	ssyncset.done @!p0 $0x0;
	(pc) =	sbr.rel @p1 .LBB2_20-.Ltmp12, $4  }
0x160: {  	[sflag:s0] =	ssyncadd.s32 @!p0 $0xFFFFCE00  }
0x161: {  	_ =	swait.ge @!p0 [sflag:s0], $0x3200  }
0x162: {  	[sflag:s0] =	ssyncset.done @!p0 $0x0  }
0x163: {  	[sflag:s0] =	ssyncadd.s32 @!p0 $0xFFFFCE00  }
0x164: {  	_ =	swait.ge [sflag:s16], $0x1900  }
0x165: {  	[sflag:s16] =	ssyncset.done $0x0  }
0x166: {  	[sflag:s16] =	ssyncadd.s32 $0xFFFFE700  }
0x167: {  	_ =	swait.ge [sflag:s16], $0x1900  }
0x168: {  	s22 =	simm.s32 $0x0;
	[sflag:s16] =	ssyncset.done $0x0  }
0x169: {  	s3 =	simm.s32 $0xF728;
	s18 =	simm.s32 $0xF8B8;
	v0 =	vmov v1;
	[sflag:s16] =	ssyncadd.s32 $0xFFFFE700  }
.LBB2_18:
0x16a: {  	v1 =	vlaneseq.u32  }
0x16b: {  	v1 =	vor.u32 s22, v1  }
0x16c: {  	v2 =	vshll.u32 v1, $0x4;
	_ =	sdelay $0x1  }
0x16d: {  	v3 =	vor.u32 $0x1, v2;
	_ =	sdelay $0x1  }
0x16e: {  	v4 =	vor.u32 $0x2, v2  }
0x16f: {  	v5 =	vld.idx.msk [tilespmem:v2+s11+$0x0], $0xffff  }
0x170: {  	v7 =	vld.idx.msk [tilespmem:v2+s12+$0x0], $0xffff  }
0x171: {  	v6 =	vld.idx.msk [tilespmem:v3+s11+$0x0], $0xffff  }
0x172: {  	v3 =	vld.idx.msk [tilespmem:v3+s12+$0x0], $0xffff  }
0x173: {  	v8 =	vld.idx.msk [tilespmem:v4+s11+$0x0], $0xffff  }
0x174: {  	v4 =	vld.idx.msk [tilespmem:v4+s12+$0x0], $0xffff;
	_ =	sdelay $0x2  }
0x175: {  	v5 =	vsub.f32 v7, v5;
	v3 =	vsub.f32 v3, v6;
	_ =	sdelay $0x1  }
0x176: {  	v4 =	vsub.f32 v4, v8;
	v5 =	vmul.f32 v5, v5;
	v3 =	vmul.f32 v3, v3;
	_ =	sdelay $0x1  }
0x177: {  	v4 =	vmul.f32 v4, v4;
	v3 =	vadd.f32 v3, v5;
	_ =	sdelay $0x1  }
0x178: {  	v3 =	vadd.f32 v4, v3;
	_ =	sdelay $0x1  }
0x179: {  	v3 =	vadd.f32 $9.999999960e-13, v3;
	_ =	sdelay $0x1  }
0x17a: {  	v12 =	vshra.s32 v3, $0x1;
	v13 =	vmul.f32 $5.000000000e-01, v3  }
0x17b: {  	v4 =	vsub.s32 $0x5F3759DF, v12  }
0x17c: {  	v14 =	vmul.f32 v4, v13;
	_ =	sdelay $0x1  }
0x17d: {  	v6 =	vmul.f32 v4, v14;
	_ =	sdelay $0x1  }
0x17e: {  	v6 =	vsub.f32 $1.500000000e+00, v6;
	_ =	sdelay $0x1  }
0x17f: {  	v4 =	vmul.f32 v4, v6;
	_ =	sdelay $0x1  }
0x180: {  	v6 =	vmul.f32 v4, v13;
	_ =	sdelay $0x1  }
0x181: {  	v6 =	vmul.f32 v6, v4;
	_ =	sdelay $0x1  }
0x182: {  	v6 =	vsub.f32 $1.500000000e+00, v6;
	_ =	sdelay $0x1  }
0x183: {  	v4 =	vmul.f32 v6, v4;
	_ =	sdelay $0x1  }
0x184: {  	v5 =	vmul.f32 v4, v13;
	_ =	sdelay $0x1  }
0x185: {  	v5 =	vmul.f32 v5, v4;
	_ =	sdelay $0x1  }
0x186: {  	v5 =	vsub.f32 $1.500000000e+00, v5;
	_ =	sdelay $0x1  }
0x187: {  	v4 =	vmul.f32 v5, v4;
	_ =	sdelay $0x1  }
0x188: {  	v3 =	vmul.f32 v4, v3;
	_ =	sdelay $0x1  }
0x189: {  	v3 =	vmul.f32 $6.283185480e-01, v3;
	_ =	sdelay $0x1  }
0x18a: {  	v9 =	vmul.f32 $1.591549370e-01, v3;
	_ =	sdelay $0x1  }
0x18b: {  	v5 =	vadd.f32 $5.000000000e-01, v9;
	_ =	sdelay $0x1  }
0x18c: {  	v5 =	vtrunc.f32 v5  }
0x18d: {  	v5 =	vcvt.f32.s32 v5;
	_ =	sdelay $0x1  }
0x18e: {  	v5 =	vcvt.s32.f32 v5;
	_ =	sdelay $0x1  }
0x18f: {  	v5 =	vmul.f32 $-6.283185480e+00, v5;
	_ =	sdelay $0x1  }
0x190: {  	v3 =	vadd.f32 v5, v3;
	_ =	sdelay $0x1  }
0x191: {  	v5 =	vmul.f32 v3, v3;
	_ =	sdelay $0x1  }
0x192: {  	v10 =	vmul.f32 $-2.219369430e-07, v5;
	_ =	sdelay $0x1  }
0x193: {  	v6 =	vadd.f32 $2.425313690e-05, v10;
	_ =	sdelay $0x1  }
0x194: {  	v11 =	vmul.f32 $2.173210080e-06, v5;
	v6 =	vmul.f32 v6, v5;
	_ =	sdelay $0x1  }
0x195: {  	v7 =	vadd.f32 $-1.931618170e-04, v11;
	v6 =	vadd.f32 $-1.386274350e-03, v6;
	_ =	sdelay $0x1  }
0x196: {  	v7 =	vmul.f32 v7, v5;
	v6 =	vmul.f32 v6, v5;
	_ =	sdelay $0x1  }
0x197: {  	v7 =	vadd.f32 $8.312382740e-03, v7;
	v6 =	vadd.f32 $4.166103150e-02, v6;
	_ =	sdelay $0x1  }
0x198: {  	v7 =	vmul.f32 v7, v5;
	v6 =	vmul.f32 v6, v5;
	_ =	sdelay $0x1  }
0x199: {  	v7 =	vadd.f32 $-1.666325780e-01, v7;
	v6 =	vadd.f32 $-4.999955890e-01, v6;
	_ =	sdelay $0x1  }
0x19a: {  	v7 =	vmul.f32 v7, v5;
	v5 =	vmul.f32 v6, v5;
	_ =	sdelay $0x1  }
0x19b: {  	v12 =	vadd.f32 $9.999845620e-01, v7;
	v5 =	vadd.f32 $9.999994630e-01, v5;
	_ =	sdelay $0x1  }
0x19c: {  	v3 =	vmul.f32 v12, v3;
	v5 =	vadd.f32 v5, v5;
	_ =	sdelay $0x1  }
0x19d: {  	v6 =	vmul.f32 v5, v3;
	_ =	sdelay $0x1  }
0x19e: {  	v13 =	vmul.f32 v6, v5;
	_ =	sdelay $0x1  }
0x19f: {  	v7 =	vsub.f32 v13, v3;
	_ =	sdelay $0x1  }
0x1a0: {  	v14 =	vmul.f32 v7, v5;
	_ =	sdelay $0x1  }
0x1a1: {  	v8 =	vsub.f32 v14, v6  }
0x1a2: {  	v15 =	vld [tilespmem:$0x1FEC0]  }
0x1a3: {  	v16 =	vld [tilespmem:$0x1FF00];
	v9 =	vmul.f32 v8, v5  }
0x1a4: {  	v4 =	vmul.f32 $4.000000060e-01, v4;
	v13 =	vld [tilespmem:$0x1FEB0]  }
0x1a5: {  	v14 =	vld [tilespmem:$0x1FEF0];
	v9 =	vsub.f32 v9, v7  }
0x1a6: {  	v3 =	vmul.f32 v3, v4  }
0x1a7: {  	v6 =	vmul.f32 v6, v4;
	v10 =	vmul.f32 v9, v5  }
0x1a8: {  	v15 =	vmul.f32 v3, v15  }
0x1a9: {  	v13 =	vmul.f32 v3, v13;
	v16 =	vmul.f32 v6, v16;
	v10 =	vsub.f32 v10, v8  }
0x1aa: {  	v7 =	vmul.f32 v7, v4;
	v14 =	vmul.f32 v6, v14  }
0x1ab: {  	v11 =	vmul.f32 v9, v4;
	v12 =	vmul.f32 v10, v5  }
0x1ac: {  	v15 =	vadd.f32 v16, v15;
	v16 =	vmul.f32 v7, v39;
	v8 =	vmul.f32 v8, v4  }
0x1ad: {  	v9 =	vsub.f32 v12, v9;
	v12 =	vadd.f32 v14, v13;
	v13 =	vmul.f32 v7, v38  }
0x1ae: {  	v15 =	vadd.f32 v16, v15;
	v16 =	vmul.f32 v8, v47  }
0x1af: {  	v5 =	vmul.f32 v9, v5;
	v12 =	vadd.f32 v13, v12;
	v13 =	vmul.f32 v8, v46  }
0x1b0: {  	v14 =	vmul.f32 v10, v4;
	v15 =	vadd.f32 v16, v15;
	v16 =	vmul.f32 v11, v55  }
0x1b1: {  	v5 =	vsub.f32 v5, v10;
	v10 =	vadd.f32 v13, v12;
	v12 =	vmul.f32 v11, v54  }
0x1b2: {  	v9 =	vmul.f32 v9, v4;
	v13 =	vmul.f32 v14, v62  }
0x1b3: {  	v10 =	vadd.f32 v12, v10;
	v12 =	vmul.f32 v3, v17;
	v17 =	vmul.f32 v6, v21  }
0x1b4: {  	v4 =	vmul.f32 v5, v4;
	v5 =	vadd.f32 v16, v15;
	v15 =	vmul.f32 v14, v63  }
0x1b5: {  	v10 =	vadd.f32 v13, v10;
	v12 =	vadd.f32 v17, v12;
	v13 =	vmul.f32 v7, v40  }
0x1b6: {  	v16 =	vmul.f32 v9, v25;
	v17 =	vmul.f32 v4, v30;
	v5 =	vadd.f32 v15, v5  }
0x1b7: {  	v15 =	vmul.f32 v9, v26;
	v12 =	vadd.f32 v13, v12;
	v13 =	vmul.f32 v8, v48  }
0x1b8: {  	v10 =	vadd.f32 v16, v10;
	v16 =	vmul.f32 v3, v18;
	v18 =	vmul.f32 v6, v33  }
0x1b9: {  	v5 =	vadd.f32 v15, v5;
	v12 =	vadd.f32 v13, v12;
	v13 =	vmul.f32 v11, v56  }
0x1ba: {  	v15 =	vmul.f32 v4, v31;
	v16 =	vadd.f32 v18, v16;
	v18 =	vmul.f32 v7, v41  }
0x1bb: {  	v10 =	vadd.f32 v17, v10;
	v12 =	vadd.f32 v13, v12;
	v13 =	vmul.f32 v14, v0  }
0x1bc: {  	v5 =	vadd.f32 v15, v5;
	v15 =	vadd.f32 v18, v16;
	v16 =	vmul.f32 v8, v49  }
0x1bd: {  	v17 =	vmul.f32 v6, v34;
	v12 =	vadd.f32 v13, v12;
	v13 =	vmul.f32 v3, v19  }
0x1be: {  	v15 =	vadd.f32 v16, v15  }
0x1bf: {  	v16 =	vmul.f32 v11, v57;
	v13 =	vadd.f32 v17, v13;
	v17 =	vmul.f32 v7, v42;
	_ =	sdelay $0x1  }
0x1c0: {  	v15 =	vadd.f32 v16, v15;
	v16 =	vmul.f32 v8, v50;
	v13 =	vadd.f32 v17, v13  }
0x1c1: {  	v18 =	vmul.f32 v9, v27  }
0x1c2: {  	v13 =	vadd.f32 v16, v13;
	v16 =	vmul.f32 v11, v58  }
0x1c3: {  	v12 =	vadd.f32 v18, v12;
	v18 =	vmul.f32 v3, v20;
	v20 =	vmul.f32 v6, v35  }
0x1c4: {  	v19 =	vld [tilespmem:$0x1FFC0];
	v13 =	vadd.f32 v16, v13;
	v16 =	vmul.f32 v14, v22  }
0x1c5: {  	v17 =	vmul.f32 v14, v24;
	v18 =	vadd.f32 v20, v18  }
0x1c6: {  	v20 =	vmul.f32 v7, v43;
	v13 =	vadd.f32 v16, v13;
	v16 =	vmul.f32 v9, v29  }
0x1c7: {  	v15 =	vadd.f32 v17, v15  }
0x1c8: {  	v17 =	vadd.f32 v20, v18;
	v18 =	vmul.f32 v8, v51;
	v13 =	vadd.f32 v16, v13;
	v16 =	vld [tilespmem:$0x1FFE0]  }
0x1c9: {  	v2 =	vor.u32 $0x3, v2;
	v19 =	vmul.f32 v4, v19  }
0x1ca: {  	v17 =	vadd.f32 v18, v17;
	v18 =	vmul.f32 v11, v59  }
0x1cb: {  	v12 =	vadd.f32 v19, v12;
	v19 =	vmul.f32 v9, v28  }
0x1cc: {  	v17 =	vadd.f32 v18, v17;
	v18 =	vmul.f32 v14, v23  }
0x1cd: {  	v15 =	vadd.f32 v19, v15;
	v19 =	vld [tilespmem:$0x1FFD0];
	v16 =	vmul.f32 v4, v16  }
0x1ce: {  	v21 =	vld.idx.msk [tilespmem:v2+s11+$0x0], $0xffff;
	v17 =	vadd.f32 v18, v17;
	v18 =	vmul.f32 v9, v32  }
0x1cf: {  	v13 =	vadd.f32 v16, v13;
	v16 =	vld [tilespmem:$0x1FED0]  }
0x1d0: {  	v17 =	vadd.f32 v18, v17;
	v18 =	vld [tilespmem:$0x1FEE0]  }
0x1d1: {  	v2 =	vld.idx.msk [tilespmem:v2+s12+$0x0], $0xffff  }
0x1d2: {  	v19 =	vmul.f32 v4, v19;
	_ =	sdelay $0x1  }
0x1d3: {  	v15 =	vadd.f32 v19, v15;
	v19 =	vmul.f32 v6, v36;
	v16 =	vmul.f32 v3, v16  }
0x1d4: {  	v6 =	vmul.f32 v6, v37;
	v3 =	vmul.f32 v3, v18  }
0x1d5: {  	v2 =	vtrunc.f32 v2;
	v18 =	vmul.f32 v7, v44;
	v16 =	vadd.f32 v19, v16  }
0x1d6: {  	v20 =	vtrunc.f32 v21;
	v3 =	vadd.f32 v6, v3;
	v6 =	vmul.f32 v7, v45  }
0x1d7: {  	v20 =	vcvt.f32.s32 v20;
	v7 =	vadd.f32 v18, v16;
	v16 =	vmul.f32 v8, v52  }
0x1d8: {  	v2 =	vcvt.f32.s32 v2;
	v3 =	vadd.f32 v6, v3;
	v8 =	vmul.f32 v8, v53  }
0x1d9: {  	v1 =	vmul.u32 $0x18, v1;
	[tilespmem:s3+$0x0] =	vst v20;
	v7 =	vadd.f32 v16, v7  }
0x1da: {  	[tilespmem:s18+$0x0] =	vst v2;
	v16 =	vmul.f32 v11, v60;
	v2 =	vadd.f32 v8, v3;
	v8 =	vmul.f32 v11, v61;
	v11 =	vld [tilespmem:$0x1FF10];
	_ =	sdelay $0x1  }
0x1db: {  	v6 =	vor.u32 $0x1, v1;
	v7 =	vadd.f32 v16, v7;
	v16 =	vld [tilespmem:$0x1FF20];
	_ =	sdelay $0x2  }
0x1dc: {  	v11 =	vmul.f32 v14, v11  }
0x1dd: {  	[tilespmem:v1+s29+$0x0] =	vst.idx.msk $0xffff, v10;
	v2 =	vadd.f32 v8, v2  }
0x1de: {  	v18 =	vor.u32 $0x2, v1;
	[tilespmem:v6+s29+$0x0] =	vst.idx.msk $0xffff, v5;
	v14 =	vmul.f32 v14, v16;
	v6 =	vadd.f32 v11, v7;
	v11 =	vld [tilespmem:$0x1FF30];
	_ =	sdelay $0x1  }
0x1df: {  	v3 =	vor.u32 $0x3, v1;
	v2 =	vadd.f32 v14, v2;
	v14 =	vld [tilespmem:$0x1FF50];
	_ =	sdelay $0x1  }
0x1e0: {  	v8 =	vld [tilespmem:$0x1FFF0]  }
0x1e1: {  	[tilespmem:v18+s29+$0x0] =	vst.idx.msk $0xffff, v12;
	v12 =	vld [tilespmem:$0x1FF40];
	v7 =	vmul.f32 v9, v11;
	_ =	sdelay $0x1  }
0x1e2: {  	[tilespmem:v3+s29+$0x0] =	vst.idx.msk $0xffff, v15;
	v3 =	vadd.f32 v7, v6;
	v6 =	vmul.f32 v4, v14;
	v14 =	vld [tilespmem:$0x1FF60]  }
0x1e3: {  	v10 =	vor.u32 $0x4, v1  }
0x1e4: {  	v5 =	vor.u32 $0x5, v1  }
0x1e5: {  	v8 =	vmul.f32 v4, v8;
	v11 =	vor.u32 $0x6, v1;
	v9 =	vmul.f32 v9, v12  }
0x1e6: {  	p0 =	sne.s32 s22, $0x180;
	v1 =	vor.u32 $0x7, v1  }
.Ltmp13:
0x1e7: {  	v21 =	vld [tilespmem:$0x1FFB0];
	v12 =	vadd.f32 v8, v17;
	v2 =	vadd.f32 v9, v2;
	v4 =	vmul.f32 v4, v14;
	(pc) =	sbr.rel @p0 .LBB2_18-.Ltmp13, $4  }
0x1e8: {  	v20 =	vld [tilespmem:$0x1FFA0];
	[tilespmem:v10+s29+$0x0] =	vst.idx.msk $0xffff, v13;
	v3 =	vadd.f32 v6, v3  }
0x1e9: {  	v19 =	vld [tilespmem:$0x1FF90];
	[tilespmem:v5+s29+$0x0] =	vst.idx.msk $0xffff, v12;
	v2 =	vadd.f32 v4, v2  }
0x1ea: {  	v18 =	vld [tilespmem:$0x1FF80];
	[tilespmem:v11+s29+$0x0] =	vst.idx.msk $0xffff, v3  }
0x1eb: {  	s22 =	sadd.s32 $0x10, s22;
	s3 =	sadd.s32 $0x10, s3;
	s18 =	sadd.s32 $0x10, s18;
	v17 =	vld [tilespmem:$0x1FF70];
	[tilespmem:v1+s29+$0x0] =	vst.idx.msk $0xffff, v2  }
0x1ec: {  	s0 =	simm.s32 $0x11FC8;
	s1 =	simm.s32 $0xF728;
	p0 =	sgt.u32 s21, $0x7AF  }
0x1ed: {  	[tilespmem:s0], [sflag:$0x7] =	stream.indirect.gather [hbm4b:s8+s28], $0x20, s1, s28, $0xb8;
	[tilespmem:$0x183C8] =	vst v63  }
0x1ee: {  	s30 =	simm.s32 $0x151C8;
	s3 =	simm.s32 $0xF8B8;
	s0 =	smul.u32 @!p0 $0x190, s21  }
0x1ef: {  	[tilespmem:s30], [sflag:$0x7] =	stream.indirect.gather [hbm4b:s9+s28], $0x20, s3, s28, $0xb8;
	[tilespmem:$0x183C8] =	vst v63  }
0x1f0: {  	s0 =	sshrl.u32 @!p0 s0, $0x3  }
.Ltmp14:
0x1f1: {  	s0 =	sadd.s32 @!p0 $0x640, s0;
	(pc) =	sbr.rel .LBB2_20-.Ltmp14, $4  }
0x1f2: {  	s18 =	simm.s32 @!p0 $0x48;
	s3 =	simm.s32 @!p0 $0x0;
	s1 =	sadd.s32 @!p0 s5, s0  }
0x1f3: {  	[tilespmem:s18], [sflag:$0x1] =	stream.linear.gather @!p0 [hbm4b:s1+s3], $0x190, $0x38;
	[tilespmem:$0x183C8] =	vst v63  }
0x1f4: {  	s0 =	sadd.s32 @!p0 s6, s0;
	s1 =	simm.s32 @!p0 $0x1D8  }
0x1f5: {  	v1 =	vmov v0;
	[tilespmem:s1], [sflag:$0x1] =	stream.linear.gather @!p0 [hbm4b:s0+s3], $0x190, $0x38;
	[tilespmem:$0x183C8] =	vst v63  }
.LBB2_22:
0x1f6: {  	_ =	sfence.sel $0x180000  }
0x1f7: {  	[bflag:$0x0] =	sbarrier.arrive $0xFFFF  }
0x1f8: {  	_ =	strace $0x90000047  }
0x1f9: {  	s0 =	stileid.u32;
	[bflag:$0x2] =	sbarrier.arrive $0xFFFF  }
0x1fa: {  	p0 =	sne.s32 s0, $0x0;
	s0 =	rddreg [dreg:$0x2]  }
0x1fb: {  	s0 =	sadd.s32 @!p0 $0x100000, s0  }
0x1fc: {  	[sflag:s0] =	ssyncadd.tile.s32 @!p0 $0x1;
	_ =	shalt  }
.Lfunc_end2:
_tile_overlayer_lowered:
.L_overlay_start_2:
0x1fd: {  	(tag) =	ssettag $0x2  }
0x1fe: {  	s0 =	rddreg [dreg:$0x0];
	s2 =	stileid.u32  }
0x1ff: {  	s1 =	rddreg [dreg:$0x1];
	p0 =	sne.s32 s2, $0x0  }
0x200: {  	s3 =	rddreg [dreg:$0x2];
	[bflag:$0x3] =	sbarrier.arrive $0xFFFF;
	s2 =	simm.s32 @!p0 $0x1C09  }
0x201: {  	[timem:s3], [sflag:s2] =	dma.local @!p0 [hbm:s0], s1  }
0x202: {  	s0 =	simm.s32 @!p0 $0x9  }
0x203: {  	_ =	swait.ge @!p0 [sflag:s0], s1  }
0x204: {  	s1 =	ssub.s32 @!p0 $0x0, s1;
	[sflag:s0] =	ssyncset.done @!p0 $0x0  }
0x205: {  	[sflag:s0] =	ssyncadd.s32 @!p0 s1  }
0x206: {  	[bflag:$0x3] =	sbarrier.arrive $0xFFFF  }
0x207: {  	_ =	shalt  }

// kernel: sparse-core-data-format-call.cloned.1.call-start
scs
called_computation_lowered:
.L_overlay_start_0:
0x0: {  	s2 =	sld [smem:$0x3FD9]  }
0x1: {  	s3 =	sld [smem:$0x3FFE];
	_ =	sdelay $0x1  }
0x2: {  	s1 =	srdreg.scid  }
0x3: {  	s0 =	sand.u32 $0x1, s1  }
0x4: {  	s18 =	sshll.u32 s0, $0xA;
	s2 =	sadd.s32 s3, s2  }
0x5: {  	s2 =	sadd.s32 s2, s18  }
0x6: {  	[smem:$0x3FC3] =	sst s2  }
0x7: {  	_ = 	snop  }
0x8: {  	s2 =	sld [smem:$0x3FD0];
	(tm) =	ssettm $0x1  }
0x9: {  	s19 =	sld [smem:$0x3FFB];
	_ =	sdelay $0x3  }
0xa: {  	_ =	strace s19  }
0xb: {  	s3 =	sld [smem:$0x3FFC];
	_ =	sdelay $0x3  }
0xc: {  	_ =	strace s3  }
0xd: {  	s3 =	sld [smem:$0x3FFD];
	_ =	sdelay $0x3  }
0xe: {  	_ =	strace s3  }
0xf: {  	_ =	strace $0x8FFFFFFF  }
0x10: {  	s20 =	sld [smem:$0x3FDB];
	_ =	sdelay $0x1  }
0x11: {  	s4 =	simm.s32 $_scs_section_size  }
0x12: {  	s5 =	simm.s32 $_size__tile_overlayer_lowered;
	s6 =	simm.s32 $_tile_overlayer_lowered  }
0x13: {  	s23 =	simm.s32 $0x1BFF;
	s22 =	sshll.u32 s6, $0x1;
	s3 =	sadd.s32 s4, s20  }
0x14: {  	s7 =	simm.s32 $0x0;
	s21 =	sshll.u32 s5, $0x1;
	s5 =	sadd.s32 s22, s3  }
0x15: {  	[timem:s7], [sflag:s23] =	dma.local [hbm:s5], s21  }
0x16: {  	_ =	swait.ge [sflag:s23], s21  }
0x17: {  	s4 =	ssub.s32 $0x0, s21;
	[sflag:s23] =	ssyncset.done $0x0  }
0x18: {  	[sflag:s23] =	ssyncadd.s32 s4;
	_ =	sdelay $0x1  }
0x19: {  	s24 =	simm.s32 $0x1B8B  }
0x1a: {  	_ =	swait.ge [sflag:s24], $0x1  }
0x1b: {  	[sflag:s24] =	ssyncset.done $0x0  }
0x1c: {  	s26 =	simm.s32 $0x1B8E;
	s25 =	sld [smem:$0x3FFE];
	[sflag:s24] =	ssyncadd.s32 $0xFFFFFFFF  }
0x1d: {  	s27 =	simm.s32 $execute0_lowered;
	[smem:$0x3FD2] =	sst s26  }
0x1e: {  	s5 =	sshll.u32 s27, $0x1;
	_ =	strace $0x80000049;
	[dreg:$0x1] =	wrdreg $0xFFFFFFFF  }
0x1f: {  	s28 =	simm.s32 $_size_execute0_lowered;
	s3 =	sadd.s32 s3, s5;
	[dreg:$0x0] =	wrdreg $0x0  }
0x20: {  	s5 =	sshll.u32 s28, $0x1;
	[dreg:$0x2] =	wrdreg s3  }
0x21: {  	[dreg:$0x3] =	wrdreg s5  }
0x22: {  	[dreg:$0x4] =	wrdreg $0xC0  }
0x23: {  	_ =	task [dreg:s7], $0x5FFFF  }
0x24: {  	[dreg:$0x1] =	wrdreg $0xFFFFFFFF  }
0x25: {  	[dreg:$0x0] =	wrdreg $0x60  }
0x26: {  	[dreg:$0x2] =	wrdreg s25  }
0x27: {  	[dreg:$0x3] =	wrdreg s2  }
0x28: {  	[dreg:$0x4] =	wrdreg $0x9  }
0x29: {  	_ =	task.clear_ibuf [dreg:s7], $0x5FFFF;
	_ =	strace $0x90000049  }
0x2a: {  	s29 =	simm.s32 $0x9;
	_ =	strace $0x8000004B  }
0x2b: {  	_ =	swait.ge [sflag:s29], $0x1  }
0x2c: {  	[sflag:s29] =	ssyncadd.s32 $0xFFFFFFFF  }
0x2d: {  	_ =	strace $0x9000004B  }
0x2e: {  	_ =	sfence  }
0x2f: {  	s30 =	sld [smem:$0x0];
	_ =	sdelay $0x2  }
0x30: {  	s31 =	sshll.u32 s1, $0xD;
	s1 =	sshrl.u32 s1, $0x2  }
0x31: {  	s3 =	sand.u32 $0x4000, s31;
	s1 =	sadd.s32 s1, s30  }
0x32: {  	s0 =	sor.u32 s3, s0;
	s1 =	sshll.u32 s1, $0x11  }
0x33: {  	s0 =	sor.u32 s1, s0  }
0x34: {  	s0 =	sadd.s32 $0x8F2B, s0  }
0x35: {  	[sflag:s0] =	ssyncadd.remote.s32 $0x1  }
0x36: {  	_ =	sfence.sel $0xFFFF  }
0x37: {  	[dreg:$0x0] =	wrdreg $0xFFFFFFFF;
	(pc) =	sbr.abs _section_cstart, $3  }
0x38: {  	[dreg:$0x1] =	wrdreg $0xFFFFFFFF  }
0x39: {  	_ =	task.clear_ibuf [dreg:s7], $0x2FFFF;
	_ =	strace $0x9FFFFFFF  }
0x3a: {  	(tm) =	ssettm $0x7FFFFFFF  }
0x3b: {  	_ =	shalt  }
tec
execute0_lowered:
.L_overlay_start_1:
0x0: {  	(tag) =	ssettag $0x1  }
0x1: {  	s0 =	srdreg.scid  }
0x2: {  	s5 =	rddreg [dreg:$0x0];
	s1 =	sshll.u32 s0, $0x4  }
0x3: {  	s2 =	rddreg [dreg:$0x1];
	s0 =	stileid.u32;
	s1 =	sand.u32 $0x10, s1  }
0x4: {  	s4 =	simm.s32 $0x1;
	s8 =	simm.s32 $0x2;
	s1 =	sor.u32 s0, s1  }
0x5: {  	s12 =	simm.s32 $0x0;
	s9 =	simm.s32 $0x0;
	s3 =	sshll.u32 s1, $0x7  }
0x6: {  	s11 =	simm.s32 $0x0;
	s5 =	sadd.s32 $0x400, s5;
	s6 =	ssub.s32 $0xC3500, s3  }
.Ltmp0:
0x7: {  	s1 =	rddreg [dreg:$0x2];
	s7 =	sand.u32 $0xF80, s6;
	(pc) =	sbr.rel .LBB1_1-.Ltmp0, $4  }
0x8: {  	_ =	strace $0x8000004A;
	p0 =	sne.s32 s7, $0x0;
	s7 =	simm.s32 $0x1  }
0x9: {  	[sflag:s4] =	ssyncpa.u1 $0x0;
	s6 =	sshrl.u32 s6, $0xC;
	s7 =	simm.s32 @!p0 $0x0  }
0xa: {  	s10 =	smov.u32 s3;
	[sflag:s8] =	ssyncpa.u1 $0x0;
	s6 =	sadd.s32 s7, s6  }
0xb: {  	s8 =	simm.s32 $0x61A800;
	p0 =	por $0x0, $0x0;
	s7 =	sadd.s32 $0x1, s6  }
.LBB1_4:
0xc: {  	s18 =	sshll.u32 s9, $0x3  }
0xd: {  	s18 =	sand.u32 $0xFFFFFC00, s18  }
0xe: {  	s19 =	sshrl.u32 s18, $0x8  }
0xf: {  	s19 =	smulhi.u32 $0x14F8B59, s19  }
0x10: {  	v5 =	vld [tilespmem:s14+$0xFFFFFFD0];
	[tilespmem:s16+$0x2040 ss:$0x81] =	vst.msk $0xffff, v2  }
0x11: {  	v58 =	vld [tilespmem:s14+$0xFFFFFFE0];
	[tilespmem:s16+$0x2850 ss:$0x81] =	vst.msk $0xffff, v4;
	s17 =	sshra.s32 s17, $0x2;
	s19 =	sshrl.u32 s19, $0x4  }
0x12: {  	v59 =	vld [tilespmem:s14+$0xFFFFFFF0];
	[tilespmem:s16+$0x3060 ss:$0x81] =	vst.msk $0xffff, v3;
	s20 =	sand.u32 $0x7F, s9;
	p1 =	sgt.s32 s9, $0xC3480;
	s21 =	smul.u32 $0xE39, s19  }
0x13: {  	v60 =	vld [tilespmem:s14+$0x0];
	[tilespmem:s16+$0x0 ss:$0x81] =	vst.msk $0xffff, v0;
	s25 =	sshra.s32 s9, $0x1F;
	s15 =	sadd.s32 s17, s15;
	s22 =	sor.u32 s20, s18  }
0x14: {  	v61 =	vld [tilespmem:s14+$0x10];
	[tilespmem:s15+$0x3870 ss:$0x81] =	vst.msk $0xffff, v1;
	s20 =	smov.u32 s9;
	s23 =	smul.u32 $0xC3500, s19;
	s24 =	sshrl.u32 s21, $0x12  }
0x15: {  	v62 =	vld [tilespmem:s14+$0x20];
	s20 =	simm.s32 @!p1 $0xC3480;
	[tilespmem:s15+$0x810 ss:$0x81] =	vst.msk $0xffff, v5;
	s21 =	sand.u32 s25, s9;
	s18 =	smul.u32 $0x48, s24  }
0x16: {  	v63 =	vld [tilespmem:s14+$0xFFFFFFC0];
	[tilespmem:s15+$0x1020 ss:$0x81] =	vst.msk $0xffff, v58;
	s26 =	ssub.s32 s22, s23;
	s27 =	ssub.s32 s20, s21  }
0x17: {  	[tilespmem:s15+$0x1830 ss:$0x81] =	vst.msk $0xffff, v59;
	s30 =	sshrl.u32 s26, $0x3;
	s16 =	ssub.s32 $0xC3500, s27;
	s28 =	ssub.s32 s19, s18  }
0x18: {  	[tilespmem:s15+$0x2040 ss:$0x81] =	vst.msk $0xffff, v60;
	s14 =	sand.u32 $0x7, s26;
	s16 =	smul.u32 $0x120, s16;
	s17 =	sand.u32 $0xFFFF, s28  }
0x19: {  	[tilespmem:s15+$0x2850 ss:$0x81] =	vst.msk $0xffff, v61;
	s29 =	sadd.s32 $0xFFF3CB80, s27;
	s14 =	sshll.u32 s14, $0x12;
	s17 =	smul.u32 $0x186A0, s17  }
0x1a: {  	[tilespmem:s15+$0x3060 ss:$0x81] =	vst.msk $0xffff, v62;
	p1 =	sgt.s32 s29, $0x7F;
	s18 =	sadd.s32 s2, s30;
	s16 =	sshrl.u32 s16, $0x2  }
0x1b: {  	[tilespmem:s15+$0x0 ss:$0x81] =	vst.msk $0xffff, v63;
	s14 =	sor.u32 $0x400, s14;
	s16 =	simm.s32 @p1 $0x0;
	s31 =	sadd.s32 s17, s18  }
0x1c: {  	[hbm4b:s31+s14] =	stream.strided.scatter [tilespmem:s13], [sflag:$0x2], s16, s8, s14, $0x20;
	[tilespmem:$0x10100] =	vst v63  }
.LBB1_5:
0x1d: {  	p1 =	slt.u32 s11, $0x2  }
0x1e: {  	p2 =	sgt.s32 @!p1 s12, $0xC3480  }
0x1f: {  	s13 =	smov.u32 s12;
	s14 =	sshra.s32 @!p1 s12, $0x1F;
	p2 =	por !p2, p1  }
0x20: {  	s12 =	sand.u32 @!p1 s14, s12;
	s13 =	simm.s32 @p2 $0xC3480  }
0x21: {  	s12 =	ssub.s32 @!p1 s13, s12  }
0x22: {  	s13 =	ssub.s32 @!p1 $0xC3500, s12  }
0x23: {  	s12 =	sadd.s32 @!p1 $0xFFF3CB80, s12;
	s13 =	smul.u32 @!p1 $0x120, s13  }
0x24: {  	p2 =	sgt.s32 @!p1 s12, $0x7F  }
0x25: {  	s14 =	sadd.s32 $0x1000, s10;
	p2 =	por !p2, p1;
	s12 =	sshrl.u32 @!p1 s13, $0x2  }
0x26: {  	s12 =	simm.s32 @!p2 $0x0;
	p2 =	sgt.s32 s14, $0xC34FF  }
0x27: {  	s14 =	smov.u32 @p2 s3;
	p2 =	sne.s32 s11, s7  }
.Ltmp1:
0x28: {  	_ = 	snop;
	(pc) =	sbr.rel @!p2 .LBB1_6-.Ltmp1, $4  }
0x29: {  	s13 =	simm.s32 @!p1 $0x2  }
0x2a: {  	p0 =	por !p0, !p0;
	_ =	swait.ge @!p1 [sflag:s13], s12;
	s15 =	ssub.s32 @!p1 $0x0, s12  }
0x2b: {  	s12 =	smov.u32 s9;
	s11 =	sadd.s32 $0x1, s11;
	[sflag:s13] =	ssyncset.done @!p1 $0x0  }
0x2c: {  	s9 =	smov.u32 s10;
	s10 =	smov.u32 s14;
	[sflag:s13] =	ssyncadd.s32 @!p1 s15  }
.LBB1_1:
0x2d: {  	p1 =	sge.u32 s11, s6  }
0x2e: {  	s13 =	sand.u32 @!p1 $0x1FFFFFF, s10  }
0x2f: {  	s14 =	smulhi.u32 @!p1 $0x14F8B59, s13;
	_ =	sdelay $0x1  }
0x30: {  	s14 =	sshrl.u32 @!p1 s14, $0xC  }
0x31: {  	s14 =	smul.u32 @!p1 $0xC3500, s14;
	_ =	sdelay $0x1  }
0x32: {  	s15 =	sxor.u32 @!p1 $0xFFFFFFFF, s11;
	s13 =	ssub.s32 @!p1 s13, s14  }
0x33: {  	s31 =	sadd.s32 $0xFFFFFFFF, s11;
	s14 =	sshll.u32 @!p1 s15, $0xE;
	s13 =	sshll.u32 @!p1 s13, $0x4  }
0x34: {  	s15 =	simm.s32 @!p1 $0x0;
	s14 =	sand.u32 @!p1 $0x4000, s14;
	s13 =	sadd.s32 @!p1 s5, s13  }
0x35: {  	[tilespmem:s14], [sflag:$0x1] =	stream.linear.gather @!p1 [hbm4b:s13+s15], $0x4000, $0x38;
	[tilespmem:$0x10100] =	vst v63  }
0x36: {  	p1 =	sge.u32 s31, s6  }
.Ltmp2:
0x37: {  	_ = 	snop;
	(pc) =	sbr.rel @p1 .LBB1_5-.Ltmp2, $1  }
0x38: {  	_ =	sdelay $0x3  }
0x39: {  	s13 =	simm.s32 $0x1  }
0x3a: {  	_ =	swait.ge [sflag:s4], $0x4000;
	s13 =	simm.s32 @!p0 $0x0  }
0x3b: {  	[sflag:s4] =	ssyncset.done $0x0;
	s14 =	sshll.u32 s13, $0xE  }
0x3c: {  	[sflag:s4] =	ssyncadd.s32 $0xFFFFC000;
	s14 =	sor.u32 $0x40, s14  }
0x3d: {  	s13 =	smul.u32 $0x10200, s13;
	v0 =	vld [tilespmem:s14+$0x30]  }
0x3e: {  	v1 =	vld [tilespmem:s14+$0xFFFFFFD0]  }
0x3f: {  	s13 =	sshrl.u32 s13, $0x2;
	v5 =	vld [tilespmem:s14+$0xFFFFFFE0]  }
0x40: {  	v6 =	vld [tilespmem:s14+$0xFFFFFFF0];
	s15 =	sor.u32 $0x8000, s13  }
0x41: {  	s31 =	sand.u32 $0x1, s11;
	v2 =	vld [tilespmem:s14+$0x0];
	s16 =	sadd.s32 $0x0, s15  }
0x42: {  	v4 =	vld [tilespmem:s14+$0x10];
	s13 =	smul.u32 $0x10200, s31;
	[tilespmem:s16+$0x3870 ss:$0x81] =	vst.msk $0xffff, v0  }
0x43: {  	v3 =	vld [tilespmem:s14+$0x20];
	[tilespmem:s16+$0x810 ss:$0x81] =	vst.msk $0xffff, v1  }
0x44: {  	s13 =	sshrl.u32 s13, $0x2;
	v0 =	vld [tilespmem:s14+$0xFFFFFFC0];
	[tilespmem:s16+$0x1020 ss:$0x81] =	vst.msk $0xffff, v5;
	s14 =	sadd.s32 $0x80, s14  }
0x45: {  	s17 =	simm.s32 $0x4;
	s18 =	simm.s32 $0x8;
	s13 =	sor.u32 $0x8000, s13;
	[tilespmem:s16+$0x1830 ss:$0x81] =	vst.msk $0xffff, v6;
	v1 =	vld [tilespmem:s14+$0x30]  }
.LBB1_3:
0x46: {  	p1 =	sne.s32 s18, $0x1FC;
	v5 =	vld [tilespmem:s14+$0xFFFFFFD0];
	[tilespmem:s16+$0x2040 ss:$0x81] =	vst.msk $0xffff, v2  }
0x47: {  	v6 =	vld [tilespmem:s14+$0xFFFFFFE0];
	[tilespmem:s16+$0x2850 ss:$0x81] =	vst.msk $0xffff, v4  }
0x48: {  	s19 =	sshra.s32 s17, $0x2;
	s17 =	smov.u32 s18;
	v7 =	vld [tilespmem:s14+$0xFFFFFFF0];
	[tilespmem:s16+$0x3060 ss:$0x81] =	vst.msk $0xffff, v3  }
.Ltmp3:
0x49: {  	v2 =	vld [tilespmem:s14+$0x0];
	[tilespmem:s16+$0x0 ss:$0x81] =	vst.msk $0xffff, v0;
	s16 =	sadd.s32 s19, s15;
	(pc) =	sbr.rel @p1 .LBB1_3-.Ltmp3, $4  }
0x4a: {  	v4 =	vld [tilespmem:s14+$0x10];
	[tilespmem:s16+$0x3870 ss:$0x81] =	vst.msk $0xffff, v1  }
0x4b: {  	[tilespmem:s16+$0x810 ss:$0x81] =	vst.msk $0xffff, v5;
	v3 =	vld [tilespmem:s14+$0x20]  }
0x4c: {  	v0 =	vld [tilespmem:s14+$0xFFFFFFC0];
	[tilespmem:s16+$0x1020 ss:$0x81] =	vst.msk $0xffff, v6;
	s14 =	sadd.s32 $0x80, s14  }
0x4d: {  	s18 =	sadd.s32 $0x4, s18;
	v1 =	vld [tilespmem:s14+$0x30];
	[tilespmem:s16+$0x1830 ss:$0x81] =	vst.msk $0xffff, v7  }
.Ltmp4:
0x4e: {  	_ = 	snop;
	(pc) =	sbr.rel .LBB1_4-.Ltmp4, $1  }
0x4f: {  	_ =	sdelay $0x3  }
.LBB1_6:
0x50: {  	_ =	sfence.sel $0x180000  }
0x51: {  	s2 =	simm.s32 $0x1;
	[bflag:$0x0] =	sbarrier.arrive $0xFFFF  }
0x52: {  	s31 =	simm.s32 $0x2;
	[sflag:s2] =	ssyncpa.u1 $0x1  }
0x53: {  	[sflag:s31] =	ssyncpa.u1 $0x1  }
0x54: {  	p0 =	sne.s32 s0, $0x0;
	_ =	strace $0x9000004A  }
0x55: {  	s0 =	sadd.s32 @!p0 $0x100000, s1;
	[bflag:$0x2] =	sbarrier.arrive $0xFFFF  }
0x56: {  	[sflag:s0] =	ssyncadd.tile.s32 @!p0 $0x1;
	_ =	shalt  }
.Lfunc_end1:
_tile_overlayer_lowered:
.L_overlay_start_2:
0x57: {  	(tag) =	ssettag $0x2  }
0x58: {  	s0 =	rddreg [dreg:$0x0];
	s2 =	stileid.u32  }
0x59: {  	s1 =	rddreg [dreg:$0x1];
	p0 =	sne.s32 s2, $0x0  }
0x5a: {  	s3 =	rddreg [dreg:$0x2];
	[bflag:$0x3] =	sbarrier.arrive $0xFFFF;
	s2 =	simm.s32 @!p0 $0x1C01  }
0x5b: {  	[timem:s3], [sflag:s2] =	dma.local @!p0 [hbm:s0], s1  }
0x5c: {  	s0 =	simm.s32 @!p0 $0x1  }
0x5d: {  	_ =	swait.ge @!p0 [sflag:s0], s1  }
0x5e: {  	s1 =	ssub.s32 @!p0 $0x0, s1;
	[sflag:s0] =	ssyncset.done @!p0 $0x0  }
0x5f: {  	[sflag:s0] =	ssyncadd.s32 @!p0 s1  }
0x60: {  	[bflag:$0x3] =	sbarrier.arrive $0xFFFF  }
0x61: {  	_ =	shalt  }

</sc_bundles>
